<compile_context>
chip_gen: v7x
topology: tpu7x:2x2x1
jax: 0.10.2.dev20260603
libtpu: 0.0.44.dev20260713+nightly
codegen_flags: <defaults>
</compile_context>

<pallas_src>
import functools

import numpy as np
import jax
import jax.numpy as jnp
from jax import lax
from jax.experimental import pallas as pl
from jax.experimental.pallas import tpu as pltpu
from jax.experimental.pallas import tpu_sc as plsc

_H = 1024
_CROP = 768
_Y0 = 200
_SCALE = 1.25
_NTILES = 32
_RPT = _CROP // _NTILES
_LANES = 16

_d = np.arange(_Y0, _Y0 + _CROP)
_u = _d % 10
_CSRC = (8 * (_d // 10) + _u - (_u > 3) - (_u > 7)).astype(np.int32)
_CMASK = ((_u != 3) & (_u != 7)).astype(np.float32)
_CSRC_ADJ = _CSRC - np.int32(128)

_sp = (_d + 0.5) / _SCALE - 0.5
_i0 = np.floor(_sp).astype(np.int64)
_w1 = (_sp - _i0).astype(np.float32)
_WY = np.zeros((_CROP, _H), np.float32)
_WY[np.arange(_CROP), _i0] = np.float32(1.0) - _w1
_WY[np.arange(_CROP), _i0 + 1] = _w1

_WYT = np.ascontiguousarray(_WY.T)


def _sc_flow_valid(flow, valid, cidx, cmask):
    mesh = plsc.VectorSubcoreMesh(core_axis_name="c", subcore_axis_name="s")

    @functools.partial(
        pl.kernel,
        mesh=mesh,
        compiler_params=pltpu.CompilerParams(use_tc_tiling_on_sc=True,
                                             needs_layout_passes=False),
        cost_estimate=pl.CostEstimate(flops=20_000_000,
                                      bytes_accessed=20_000_000,
                                      transcendentals=0),
        out_type=[
            jax.ShapeDtypeStruct((2, _CROP, _CROP), jnp.float32),
            jax.ShapeDtypeStruct((_CROP, _CROP), jnp.float32),
        ],
        scratch_types=[
            pltpu.VMEM((32, _CROP), jnp.float32),
            pltpu.VMEM((32, _CROP), jnp.float32),
            pltpu.VMEM((32, _CROP), jnp.int32),
            pltpu.VMEM((_CROP,), jnp.int32),
            pltpu.VMEM((_CROP,), jnp.float32),
            pltpu.VMEM((_RPT, _CROP), jnp.float32),
            pltpu.VMEM((_RPT, _CROP), jnp.float32),
            pltpu.VMEM((_RPT, _CROP), jnp.float32),
        ],
    )
    def k(flow_hbm, valid_hbm, cidx_hbm, cmask_hbm, fout_hbm, vout_hbm,
          buf0, buf1, bufv, cidx_v, cmask_v, out0, out1, outv):
        wid = lax.axis_index("s") * 2 + lax.axis_index("c")
        base = wid * _RPT

        pltpu.sync_copy(cidx_hbm, cidx_v)
        pltpu.sync_copy(cmask_hbm, cmask_v)

        db = base + _Y0
        ub = db % 10
        smin = (8 * (db // 10) + ub - (ub > 3).astype(jnp.int32)
                - (ub > 7).astype(jnp.int32))
        rowbase = (smin // 8) * 8
        pltpu.sync_copy(flow_hbm.at[0, pl.ds(rowbase, 32), pl.ds(128, _CROP)],
                        buf0)
        pltpu.sync_copy(flow_hbm.at[1, pl.ds(rowbase, 32), pl.ds(128, _CROP)],
                        buf1)
        pltpu.sync_copy(valid_hbm.at[pl.ds(rowbase, 32), pl.ds(128, _CROP)],
                        bufv)

        @plsc.parallel_loop(0, _RPT)
        def row_body(r):
            d = base + r + _Y0
            u = d % 10
            soff = (8 * (d // 10) + u - (u > 3).astype(jnp.int32)
                    - (u > 7).astype(jnp.int32)) - rowbase
            rmask = jnp.where((u != 3) & (u != 7), jnp.float32(1.0),
                              jnp.float32(0.0))
            offv = jnp.broadcast_to(soff, (_LANES,))
            rmv = jnp.broadcast_to(rmask, (_LANES,))

            @plsc.parallel_loop(0, _CROP, step=_LANES, unroll=4)
            def col_body(cc):
                cs = pl.ds(cc, _LANES)
                ci = cidx_v[cs]
                cm = cmask_v[cs]
                g0 = plsc.load_gather(buf0, [offv, ci])
                g1 = plsc.load_gather(buf1, [offv, ci])
                gv = plsc.load_gather(bufv, [offv, ci])
                mf = jnp.where(gv != 0, rmv, jnp.float32(0.0)) * cm
                out0[r, cs] = (g0 * jnp.float32(_SCALE)) * mf
                out1[r, cs] = (g1 * jnp.float32(_SCALE)) * mf
                outv[r, cs] = mf

        pltpu.sync_copy(out0, fout_hbm.at[0, pl.ds(base, _RPT)])
        pltpu.sync_copy(out1, fout_hbm.at[1, pl.ds(base, _RPT)])
        pltpu.sync_copy(outv, vout_hbm.at[pl.ds(base, _RPT)])

    return k(flow, valid, cidx, cmask)


def _tc_resize(img1, img2, wy, wyt):
    def body(a_ref, b_ref, wy_ref, wyt_ref, o1_ref, o2_ref):
        wyb = wy_ref[...].astype(jnp.bfloat16)
        wytb = wyt_ref[...].astype(jnp.bfloat16)
        a = a_ref[0].astype(jnp.bfloat16)
        b = b_ref[0].astype(jnp.bfloat16)
        t1 = jnp.dot(wyb, a, preferred_element_type=jnp.float32)
        t2 = jnp.dot(wyb, b, preferred_element_type=jnp.float32)
        o1_ref[0] = jnp.dot(t1.astype(jnp.bfloat16), wytb,
                            preferred_element_type=jnp.float32)
        o2_ref[0] = jnp.dot(t2.astype(jnp.bfloat16), wytb,
                            preferred_element_type=jnp.float32)

    return pl.pallas_call(
        body,
        grid=(3,),
        in_specs=[
            pl.BlockSpec((1, _H, _H), lambda c: (c, 0, 0)),
            pl.BlockSpec((1, _H, _H), lambda c: (c, 0, 0)),
            pl.BlockSpec((_CROP, _H), lambda c: (0, 0)),
            pl.BlockSpec((_H, _CROP), lambda c: (0, 0)),
        ],
        out_specs=[
            pl.BlockSpec((1, _CROP, _CROP), lambda c: (c, 0, 0)),
            pl.BlockSpec((1, _CROP, _CROP), lambda c: (c, 0, 0)),
        ],
        out_shape=[
            jax.ShapeDtypeStruct((3, _CROP, _CROP), jnp.float32),
            jax.ShapeDtypeStruct((3, _CROP, _CROP), jnp.float32),
        ],
    )(img1, img2, wy, wyt)


def kernel(img1, img2, flow, valid):
    flowc, validc = _sc_flow_valid(flow, valid, _CSRC_ADJ, _CMASK)
    img1c, img2c = _tc_resize(img1, img2, _WY, _WYT)
    return img1c, img2c, flowc, validc

# --- scband reference (transcript-rebuilt; emitter-appended) ---
"""Pipeline reference for scband-maybe-resize-and-crop-11020886081547 (READ-ONLY COPY).

The authoritative reference and input builder live on the scoring server;
editing this copy changes nothing except your own understanding.
"""

import jax, jax.numpy as jnp
import numpy as np

# Deterministic surrogate for the random augmentation parameters:
# scale drawn from 2**U(min_scale, max_scale) -> fixed at 1.25 (both axes, no stretch),
# resize branch taken (resize_prob=0.8), crop offsets fixed.
CROP = (768, 768)
SCALE_X = 1.25
SCALE_Y = 1.25
Y0 = 200
X0 = 200


def setup_inputs(seed: int = 0) -> dict:
    key = jax.random.key(seed)
    k1, k2, k3, k4 = jax.random.split(key, 4)
    img1 = jax.random.uniform(k1, (3, 1024, 1024), dtype=jnp.float32)
    img2 = jax.random.uniform(k2, (3, 1024, 1024), dtype=jnp.float32)
    flow = jax.random.normal(k3, (2, 1024, 1024), dtype=jnp.float32)
    valid = jax.random.randint(k4, (1024, 1024), 0, 2).astype(jnp.int32)
    return {"img1": img1, "img2": img2, "flow": flow, "valid": valid}


def _resize_sparse_flow(flow, valid, scale_x, scale_y):
    h, w = flow.shape[-2:]
    h_new = int(round(h * scale_y))
    w_new = int(round(w * scale_x))
    jj, ii = jnp.meshgrid(jnp.arange(w), jnp.arange(h), indexing='xy')
    ii_f = ii.reshape(-1)
    jj_f = jj.reshape(-1)
    valid_b = (valid.reshape(-1) != 0)
    ii_new = jnp.round(ii_f.astype(jnp.float32) * scale_y).astype(jnp.int32)
    jj_new = jnp.round(jj_f.astype(jnp.float32) * scale_x).astype(jnp.int32)
    inb = (ii_new >= 0) & (ii_new < h_new) & (jj_new >= 0) & (jj_new < w_new) & valid_b
    # route invalid / out-of-bounds writes to an OOB index and drop them
    ii_safe = jnp.where(inb, ii_new, h_new)
    jj_safe = jnp.where(inb, jj_new, w_new)
    vals = flow[:, ii_f, jj_f]  # gather [2, h*w]
    vals = vals * jnp.array([scale_x, scale_y], dtype=flow.dtype)[:, None]
    flow_new = jnp.zeros((2, h_new, w_new), dtype=flow.dtype).at[:, ii_safe, jj_safe].set(vals, mode='drop')
    valid_new = jnp.zeros((h_new, w_new), dtype=jnp.float32).at[ii_safe, jj_safe].set(1.0, mode='drop')
    return flow_new, valid_new


def reference(img1, img2, flow, valid):
    h, w = img1.shape[-2:]
    new_h = int(round(h * SCALE_Y))
    new_w = int(round(w * SCALE_X))
    img1r = jax.image.resize(img1, (img1.shape[0], new_h, new_w), method='bilinear')
    img2r = jax.image.resize(img2, (img2.shape[0], new_h, new_w), method='bilinear')
    flow_new, valid_new = _resize_sparse_flow(flow, valid, SCALE_X, SCALE_Y)
    y0, x0 = Y0, X0
    img1c = img1r[:, y0:y0 + CROP[0], x0:x0 + CROP[1]]
    img2c = img2r[:, y0:y0 + CROP[0], x0:x0 + CROP[1]]
    flowc = flow_new[:, y0:y0 + CROP[0], x0:x0 + CROP[1]]
    validc = valid_new[y0:y0 + CROP[0], x0:x0 + CROP[1]]
    return (img1c, img2c, flowc, validc)

if __name__ == "__main__":
    import jax
    _d = setup_inputs()
    print(jax.jit(kernel)(*tuple(_d.values())))

</pallas_src>

<mosaic_0001>
#map = affine_map<(d0, d1) -> (0, 0, 0)>
#map1 = affine_map<(d0, d1) -> (0, 0)>
#map2 = affine_map<(d0, d1) -> (0)>
module attributes {stable_mosaic.version = 14 : i64} {
  func.func @k(%arg0: i32, %arg1: i32, %arg2: memref<2x1024x1024xf32, #tpu.memory_space<hbm>>, %arg3: memref<1024x1024xi32, #tpu.memory_space<hbm>>, %arg4: memref<768xi32, #tpu.memory_space<hbm>>, %arg5: memref<768xf32, #tpu.memory_space<hbm>>, %arg6: memref<2x768x768xf32, #tpu.memory_space<hbm>>, %arg7: memref<768x768xf32, #tpu.memory_space<hbm>>, %arg8: memref<32x768xf32, #tpu.memory_space<vmem>>, %arg9: memref<32x768xf32, #tpu.memory_space<vmem>>, %arg10: memref<32x768xi32, #tpu.memory_space<vmem>>, %arg11: memref<768xi32, #tpu.memory_space<vmem>>, %arg12: memref<768xf32, #tpu.memory_space<vmem>>, %arg13: memref<24x768xf32, #tpu.memory_space<vmem>>, %arg14: memref<24x768xf32, #tpu.memory_space<vmem>>, %arg15: memref<24x768xf32, #tpu.memory_space<vmem>>) attributes {dimension_semantics = [#tpu.dimension_semantics<core_parallel>, #tpu.dimension_semantics<subcore_parallel>], iteration_bounds = array<i64: 2, 16>, scalar_prefetch = 0 : i64, scratch_operands = 8 : i64, tpu.core_type = #tpu.core_type<sc_vector_subcore>, window_params = [{transform_indices = #map}, {transform_indices = #map1}, {transform_indices = #map2}, {transform_indices = #map2}, {transform_indices = #map}, {transform_indices = #map1}]} {
    %mul3A = arith.constant 2 : i32
    %mul3A_0 = arith.muli %arg1, %mul3A : i32
    %add3A = arith.addi %mul3A_0, %arg0 : i32
    %mul3A_1 = arith.constant 24 : i32
    %mul3A_2 = arith.muli %add3A, %mul3A_1 : i32
    "tpu.region"() ({
      %run_scoped3A_75 = tpu.sem_alloc : memref<!tpu.dma_semaphore, #tpu.memory_space<semaphore_mem>>
      tpu.enqueue_dma source(%arg4 : memref<768xi32, #tpu.memory_space<hbm>>) target(%arg11 : memref<768xi32, #tpu.memory_space<vmem>>) target_semaphore(%run_scoped3A_75 : memref<!tpu.dma_semaphore, #tpu.memory_space<semaphore_mem>>)
      tpu.wait_dma2 semaphore(%run_scoped3A_75 : memref<!tpu.dma_semaphore, #tpu.memory_space<semaphore_mem>>) src(%arg4 : memref<768xi32, #tpu.memory_space<hbm>>) dst(%arg11 : memref<768xi32, #tpu.memory_space<vmem>>)
      tpu.yield
    }) : () -> ()
    "tpu.region"() ({
      %run_scoped3A_75 = tpu.sem_alloc : memref<!tpu.dma_semaphore, #tpu.memory_space<semaphore_mem>>
      tpu.enqueue_dma source(%arg5 : memref<768xf32, #tpu.memory_space<hbm>>) target(%arg12 : memref<768xf32, #tpu.memory_space<vmem>>) target_semaphore(%run_scoped3A_75 : memref<!tpu.dma_semaphore, #tpu.memory_space<semaphore_mem>>)
      tpu.wait_dma2 semaphore(%run_scoped3A_75 : memref<!tpu.dma_semaphore, #tpu.memory_space<semaphore_mem>>) src(%arg5 : memref<768xf32, #tpu.memory_space<hbm>>) dst(%arg12 : memref<768xf32, #tpu.memory_space<vmem>>)
      tpu.yield
    }) : () -> ()
    %add3A_3 = arith.constant 200 : i32
    %add3A_4 = arith.addi %mul3A_2, %add3A_3 : i32
    %jit3A = arith.constant 10 : i32
    %eq3A = arith.constant 0 : i32
    %eq3A_5 = arith.cmpi eq, %jit3A, %eq3A : i32
    %jit3A_6 = arith.constant 1 : i32
    %select_n3A = arith.select %eq3A_5, %jit3A_6, %jit3A : i32
    %rem3A = arith.remsi %add3A_4, %select_n3A : i32
    %ne3A = arith.constant 0 : i32
    %ne3A_7 = arith.cmpi ne, %rem3A, %ne3A : i32
    %lt3A = arith.constant 0 : i32
    %lt3A_8 = arith.cmpi slt, %rem3A, %lt3A : i32
    %lt3A_9 = arith.constant 0 : i32
    %lt3A_10 = arith.cmpi slt, %select_n3A, %lt3A_9 : i32
    %ne3A_11 = arith.xori %lt3A_8, %lt3A_10 : i1
    %and3A = arith.andi %ne3A_11, %ne3A_7 : i1
    %add3A_12 = arith.addi %rem3A, %select_n3A : i32
    %select_n3A_13 = arith.select %and3A, %add3A_12, %rem3A : i32
    %jit3A_14 = arith.constant 10 : i32
    %div3A = arith.divsi %add3A_4, %jit3A_14 : i32
    %sign3A = arith.constant 0 : i32
    %sign3A_15 = arith.cmpi sgt, %add3A_4, %sign3A : i32
    %sign3A_16 = arith.extui %sign3A_15 : i1 to i32
    %sign3A_17 = arith.constant 0 : i32
    %sign3A_18 = arith.cmpi slt, %add3A_4, %sign3A_17 : i32
    %sign3A_19 = arith.extui %sign3A_18 : i1 to i32
    %sign3A_20 = arith.subi %sign3A_16, %sign3A_19 : i32
    %sign3A_21 = arith.constant 0 : i32
    %sign3A_22 = arith.cmpi sgt, %jit3A_14, %sign3A_21 : i32
    %sign3A_23 = arith.extui %sign3A_22 : i1 to i32
    %sign3A_24 = arith.constant 0 : i32
    %sign3A_25 = arith.cmpi slt, %jit3A_14, %sign3A_24 : i32
    %sign3A_26 = arith.extui %sign3A_25 : i1 to i32
    %sign3A_27 = arith.subi %sign3A_23, %sign3A_26 : i32
    %ne3A_28 = arith.cmpi ne, %sign3A_20, %sign3A_27 : i32
    %rem3A_29 = arith.remsi %add3A_4, %jit3A_14 : i32
    %ne3A_30 = arith.constant 0 : i32
    %ne3A_31 = arith.cmpi ne, %rem3A_29, %ne3A_30 : i32
    %and3A_32 = arith.andi %ne3A_28, %ne3A_31 : i1
    %sub3A = arith.constant 1 : i32
    %sub3A_33 = arith.subi %div3A, %sub3A : i32
    %select_n3A_34 = arith.select %and3A_32, %sub3A_33, %div3A : i32
    %mul3A_35 = arith.constant 8 : i32
    %mul3A_36 = arith.muli %mul3A_35, %select_n3A_34 : i32
    %add3A_37 = arith.addi %mul3A_36, %select_n3A_13 : i32
    %gt3A = arith.constant 3 : i32
    %gt3A_38 = arith.cmpi sgt, %select_n3A_13, %gt3A : i32
    %convert_element_type3A = arith.extui %gt3A_38 : i1 to i32
    %sub3A_39 = arith.subi %add3A_37, %convert_element_type3A : i32
    %gt3A_40 = arith.constant 7 : i32
    %gt3A_41 = arith.cmpi sgt, %select_n3A_13, %gt3A_40 : i32
    %convert_element_type3A_42 = arith.extui %gt3A_41 : i1 to i32
    %sub3A_43 = arith.subi %sub3A_39, %convert_element_type3A_42 : i32
    %jit3A_44 = arith.constant 8 : i32
    %div3A_45 = arith.divsi %sub3A_43, %jit3A_44 : i32
    %sign3A_46 = arith.constant 0 : i32
    %sign3A_47 = arith.cmpi sgt, %sub3A_43, %sign3A_46 : i32
    %sign3A_48 = arith.extui %sign3A_47 : i1 to i32
    %sign3A_49 = arith.constant 0 : i32
    %sign3A_50 = arith.cmpi slt, %sub3A_43, %sign3A_49 : i32
    %sign3A_51 = arith.extui %sign3A_50 : i1 to i32
    %sign3A_52 = arith.subi %sign3A_48, %sign3A_51 : i32
    %sign3A_53 = arith.constant 0 : i32
    %sign3A_54 = arith.cmpi sgt, %jit3A_44, %sign3A_53 : i32
    %sign3A_55 = arith.extui %sign3A_54 : i1 to i32
    %sign3A_56 = arith.constant 0 : i32
    %sign3A_57 = arith.cmpi slt, %jit3A_44, %sign3A_56 : i32
    %sign3A_58 = arith.extui %sign3A_57 : i1 to i32
    %sign3A_59 = arith.subi %sign3A_55, %sign3A_58 : i32
    %ne3A_60 = arith.cmpi ne, %sign3A_52, %sign3A_59 : i32
    %rem3A_61 = arith.remsi %sub3A_43, %jit3A_44 : i32
    %ne3A_62 = arith.constant 0 : i32
    %ne3A_63 = arith.cmpi ne, %rem3A_61, %ne3A_62 : i32
    %and3A_64 = arith.andi %ne3A_60, %ne3A_63 : i1
    %sub3A_65 = arith.constant 1 : i32
    %sub3A_66 = arith.subi %div3A_45, %sub3A_65 : i32
    %select_n3A_67 = arith.select %and3A_64, %sub3A_66, %div3A_45 : i32
    %mul3A_68 = arith.constant 8 : i32
    %mul3A_69 = arith.muli %select_n3A_67, %mul3A_68 : i32
    %run_scoped3A = arith.constant 0 : i32
    "tpu.region"() ({
      %run_scoped3A_75 = tpu.sem_alloc : memref<!tpu.dma_semaphore, #tpu.memory_space<semaphore_mem>>
      %dma_start3A = arith.constant 128 : i32
      %dma_start3A_76 = tpu.memref_slice %arg2[%run_scoped3A, %mul3A_69, %dma_start3A] : memref<2x1024x1024xf32, #tpu.memory_space<hbm>> -> memref<1x32x768xf32, #tpu.memory_space<hbm>>
      %dma_start3A_77 = tpu.memref_squeeze %dma_start3A_76 : memref<1x32x768xf32, #tpu.memory_space<hbm>> -> memref<32x768xf32, #tpu.memory_space<hbm>>
      %dma_start3A_78 = arith.constant 128 : i32
      %dma_start3A_79 = tpu.memref_slice %arg2[%run_scoped3A, %mul3A_69, %dma_start3A_78] : memref<2x1024x1024xf32, #tpu.memory_space<hbm>> -> memref<1x32x768xf32, #tpu.memory_space<hbm>>
      %dma_start3A_80 = tpu.memref_squeeze %dma_start3A_79 : memref<1x32x768xf32, #tpu.memory_space<hbm>> -> memref<32x768xf32, #tpu.memory_space<hbm>>
      tpu.enqueue_dma source(%dma_start3A_80 : memref<32x768xf32, #tpu.memory_space<hbm>>) target(%arg8 : memref<32x768xf32, #tpu.memory_space<vmem>>) target_semaphore(%run_scoped3A_75 : memref<!tpu.dma_semaphore, #tpu.memory_space<semaphore_mem>>)
      %dma_wait3A = arith.constant 128 : i32
      %dma_wait3A_81 = tpu.memref_slice %arg2[%run_scoped3A, %mul3A_69, %dma_wait3A] : memref<2x1024x1024xf32, #tpu.memory_space<hbm>> -> memref<1x32x768xf32, #tpu.memory_space<hbm>>
      %dma_wait3A_82 = tpu.memref_squeeze %dma_wait3A_81 : memref<1x32x768xf32, #tpu.memory_space<hbm>> -> memref<32x768xf32, #tpu.memory_space<hbm>>
      %dma_wait3A_83 = arith.constant 128 : i32
      %dma_wait3A_84 = tpu.memref_slice %arg2[%run_scoped3A, %mul3A_69, %dma_wait3A_83] : memref<2x1024x1024xf32, #tpu.memory_space<hbm>> -> memref<1x32x768xf32, #tpu.memory_space<hbm>>
      %dma_wait3A_85 = tpu.memref_squeeze %dma_wait3A_84 : memref<1x32x768xf32, #tpu.memory_space<hbm>> -> memref<32x768xf32, #tpu.memory_space<hbm>>
      tpu.wait_dma2 semaphore(%run_scoped3A_75 : memref<!tpu.dma_semaphore, #tpu.memory_space<semaphore_mem>>) src(%dma_wait3A_85 : memref<32x768xf32, #tpu.memory_space<hbm>>) dst(%arg8 : memref<32x768xf32, #tpu.memory_space<vmem>>)
      tpu.yield
    }) : () -> ()
    %run_scoped3A_70 = arith.constant 1 : i32
    "tpu.region"() ({
      %run_scoped3A_75 = tpu.sem_alloc : memref<!tpu.dma_semaphore, #tpu.memory_space<semaphore_mem>>
      %dma_start3A = arith.constant 128 : i32
      %dma_start3A_76 = tpu.memref_slice %arg2[%run_scoped3A_70, %mul3A_69, %dma_start3A] : memref<2x1024x1024xf32, #tpu.memory_space<hbm>> -> memref<1x32x768xf32, #tpu.memory_space<hbm>>
      %dma_start3A_77 = tpu.memref_squeeze %dma_start3A_76 : memref<1x32x768xf32, #tpu.memory_space<hbm>> -> memref<32x768xf32, #tpu.memory_space<hbm>>
      %dma_start3A_78 = arith.constant 128 : i32
      %dma_start3A_79 = tpu.memref_slice %arg2[%run_scoped3A_70, %mul3A_69, %dma_start3A_78] : memref<2x1024x1024xf32, #tpu.memory_space<hbm>> -> memref<1x32x768xf32, #tpu.memory_space<hbm>>
      %dma_start3A_80 = tpu.memref_squeeze %dma_start3A_79 : memref<1x32x768xf32, #tpu.memory_space<hbm>> -> memref<32x768xf32, #tpu.memory_space<hbm>>
      tpu.enqueue_dma source(%dma_start3A_80 : memref<32x768xf32, #tpu.memory_space<hbm>>) target(%arg9 : memref<32x768xf32, #tpu.memory_space<vmem>>) target_semaphore(%run_scoped3A_75 : memref<!tpu.dma_semaphore, #tpu.memory_space<semaphore_mem>>)
      %dma_wait3A = arith.constant 128 : i32
      %dma_wait3A_81 = tpu.memref_slice %arg2[%run_scoped3A_70, %mul3A_69, %dma_wait3A] : memref<2x1024x1024xf32, #tpu.memory_space<hbm>> -> memref<1x32x768xf32, #tpu.memory_space<hbm>>
      %dma_wait3A_82 = tpu.memref_squeeze %dma_wait3A_81 : memref<1x32x768xf32, #tpu.memory_space<hbm>> -> memref<32x768xf32, #tpu.memory_space<hbm>>
      %dma_wait3A_83 = arith.constant 128 : i32
      %dma_wait3A_84 = tpu.memref_slice %arg2[%run_scoped3A_70, %mul3A_69, %dma_wait3A_83] : memref<2x1024x1024xf32, #tpu.memory_space<hbm>> -> memref<1x32x768xf32, #tpu.memory_space<hbm>>
      %dma_wait3A_85 = tpu.memref_squeeze %dma_wait3A_84 : memref<1x32x768xf32, #tpu.memory_space<hbm>> -> memref<32x768xf32, #tpu.memory_space<hbm>>
      tpu.wait_dma2 semaphore(%run_scoped3A_75 : memref<!tpu.dma_semaphore, #tpu.memory_space<semaphore_mem>>) src(%dma_wait3A_85 : memref<32x768xf32, #tpu.memory_space<hbm>>) dst(%arg9 : memref<32x768xf32, #tpu.memory_space<vmem>>)
      tpu.yield
    }) : () -> ()
    "tpu.region"() ({
      %run_scoped3A_75 = tpu.sem_alloc : memref<!tpu.dma_semaphore, #tpu.memory_space<semaphore_mem>>
      %dma_start3A = arith.constant 128 : i32
      %dma_start3A_76 = tpu.memref_slice %arg3[%mul3A_69, %dma_start3A] : memref<1024x1024xi32, #tpu.memory_space<hbm>> -> memref<32x768xi32, #tpu.memory_space<hbm>>
      %dma_start3A_77 = arith.constant 128 : i32
      %dma_start3A_78 = tpu.memref_slice %arg3[%mul3A_69, %dma_start3A_77] : memref<1024x1024xi32, #tpu.memory_space<hbm>> -> memref<32x768xi32, #tpu.memory_space<hbm>>
      tpu.enqueue_dma source(%dma_start3A_78 : memref<32x768xi32, #tpu.memory_space<hbm>>) target(%arg10 : memref<32x768xi32, #tpu.memory_space<vmem>>) target_semaphore(%run_scoped3A_75 : memref<!tpu.dma_semaphore, #tpu.memory_space<semaphore_mem>>)
      %dma_wait3A = arith.constant 128 : i32
      %dma_wait3A_79 = tpu.memref_slice %arg3[%mul3A_69, %dma_wait3A] : memref<1024x1024xi32, #tpu.memory_space<hbm>> -> memref<32x768xi32, #tpu.memory_space<hbm>>
      %dma_wait3A_80 = arith.constant 128 : i32
      %dma_wait3A_81 = tpu.memref_slice %arg3[%mul3A_69, %dma_wait3A_80] : memref<1024x1024xi32, #tpu.memory_space<hbm>> -> memref<32x768xi32, #tpu.memory_space<hbm>>
      tpu.wait_dma2 semaphore(%run_scoped3A_75 : memref<!tpu.dma_semaphore, #tpu.memory_space<semaphore_mem>>) src(%dma_wait3A_81 : memref<32x768xi32, #tpu.memory_space<hbm>>) dst(%arg10 : memref<32x768xi32, #tpu.memory_space<vmem>>)
      tpu.yield
    }) : () -> ()
    %parallel_loop3A = arith.constant 0 : i32
    %parallel_loop3A_71 = arith.constant 24 : i32
    %parallel_loop3A_72 = arith.constant 1 : i32
    scf.for %parallel_loop3A_75 = %parallel_loop3A to %parallel_loop3A_71 step %parallel_loop3A_72  : i32 {
      %parallel_loop3A_76 = arith.addi %mul3A_2, %parallel_loop3A_75 : i32
      %parallel_loop3A_77 = arith.constant 200 : i32
      %parallel_loop3A_78 = arith.addi %parallel_loop3A_76, %parallel_loop3A_77 : i32
      %parallel_loop3A_79 = arith.constant 10 : i32
      %parallel_loop3A_80 = arith.constant 0 : i32
      %parallel_loop3A_81 = arith.cmpi eq, %parallel_loop3A_79, %parallel_loop3A_80 : i32
      %parallel_loop3A_82 = arith.constant 1 : i32
      %parallel_loop3A_83 = arith.select %parallel_loop3A_81, %parallel_loop3A_82, %parallel_loop3A_79 : i32
      %parallel_loop3A_84 = arith.remsi %parallel_loop3A_78, %parallel_loop3A_83 : i32
      %parallel_loop3A_85 = arith.constant 0 : i32
      %parallel_loop3A_86 = arith.cmpi ne, %parallel_loop3A_84, %parallel_loop3A_85 : i32
      %parallel_loop3A_87 = arith.constant 0 : i32
      %parallel_loop3A_88 = arith.cmpi slt, %parallel_loop3A_84, %parallel_loop3A_87 : i32
      %parallel_loop3A_89 = arith.constant 0 : i32
      %parallel_loop3A_90 = arith.cmpi slt, %parallel_loop3A_83, %parallel_loop3A_89 : i32
      %parallel_loop3A_91 = arith.xori %parallel_loop3A_88, %parallel_loop3A_90 : i1
      %parallel_loop3A_92 = arith.andi %parallel_loop3A_91, %parallel_loop3A_86 : i1
      %parallel_loop3A_93 = arith.addi %parallel_loop3A_84, %parallel_loop3A_83 : i32
      %parallel_loop3A_94 = arith.select %parallel_loop3A_92, %parallel_loop3A_93, %parallel_loop3A_84 : i32
      %parallel_loop3A_95 = arith.constant 10 : i32
      %parallel_loop3A_96 = arith.divsi %parallel_loop3A_78, %parallel_loop3A_95 : i32
      %parallel_loop3A_97 = arith.constant 0 : i32
      %parallel_loop3A_98 = arith.cmpi sgt, %parallel_loop3A_78, %parallel_loop3A_97 : i32
      %parallel_loop3A_99 = arith.extui %parallel_loop3A_98 : i1 to i32
      %parallel_loop3A_100 = arith.constant 0 : i32
      %parallel_loop3A_101 = arith.cmpi slt, %parallel_loop3A_78, %parallel_loop3A_100 : i32
      %parallel_loop3A_102 = arith.extui %parallel_loop3A_101 : i1 to i32
      %parallel_loop3A_103 = arith.subi %parallel_loop3A_99, %parallel_loop3A_102 : i32
      %parallel_loop3A_104 = arith.constant 0 : i32
      %parallel_loop3A_105 = arith.cmpi sgt, %parallel_loop3A_95, %parallel_loop3A_104 : i32
      %parallel_loop3A_106 = arith.extui %parallel_loop3A_105 : i1 to i32
      %parallel_loop3A_107 = arith.constant 0 : i32
      %parallel_loop3A_108 = arith.cmpi slt, %parallel_loop3A_95, %parallel_loop3A_107 : i32
      %parallel_loop3A_109 = arith.extui %parallel_loop3A_108 : i1 to i32
      %parallel_loop3A_110 = arith.subi %parallel_loop3A_106, %parallel_loop3A_109 : i32
      %parallel_loop3A_111 = arith.cmpi ne, %parallel_loop3A_103, %parallel_loop3A_110 : i32
      %parallel_loop3A_112 = arith.remsi %parallel_loop3A_78, %parallel_loop3A_95 : i32
      %parallel_loop3A_113 = arith.constant 0 : i32
      %parallel_loop3A_114 = arith.cmpi ne, %parallel_loop3A_112, %parallel_loop3A_113 : i32
      %parallel_loop3A_115 = arith.andi %parallel_loop3A_111, %parallel_loop3A_114 : i1
      %parallel_loop3A_116 = arith.constant 1 : i32
      %parallel_loop3A_117 = arith.subi %parallel_loop3A_96, %parallel_loop3A_116 : i32
      %parallel_loop3A_118 = arith.select %parallel_loop3A_115, %parallel_loop3A_117, %parallel_loop3A_96 : i32
      %parallel_loop3A_119 = arith.constant 8 : i32
      %parallel_loop3A_120 = arith.muli %parallel_loop3A_119, %parallel_loop3A_118 : i32
      %parallel_loop3A_121 = arith.addi %parallel_loop3A_120, %parallel_loop3A_94 : i32
      %parallel_loop3A_122 = arith.constant 3 : i32
      %parallel_loop3A_123 = arith.cmpi sgt, %parallel_loop3A_94, %parallel_loop3A_122 : i32
      %parallel_loop3A_124 = arith.extui %parallel_loop3A_123 : i1 to i32
      %parallel_loop3A_125 = arith.subi %parallel_loop3A_121, %parallel_loop3A_124 : i32
      %parallel_loop3A_126 = arith.constant 7 : i32
      %parallel_loop3A_127 = arith.cmpi sgt, %parallel_loop3A_94, %parallel_loop3A_126 : i32
      %parallel_loop3A_128 = arith.extui %parallel_loop3A_127 : i1 to i32
      %parallel_loop3A_129 = arith.subi %parallel_loop3A_125, %parallel_loop3A_128 : i32
      %parallel_loop3A_130 = arith.subi %parallel_loop3A_129, %mul3A_69 : i32
      %parallel_loop3A_131 = arith.constant 3 : i32
      %parallel_loop3A_132 = arith.cmpi ne, %parallel_loop3A_94, %parallel_loop3A_131 : i32
      %parallel_loop3A_133 = arith.constant 7 : i32
      %parallel_loop3A_134 = arith.cmpi ne, %parallel_loop3A_94, %parallel_loop3A_133 : i32
      %parallel_loop3A_135 = arith.andi %parallel_loop3A_132, %parallel_loop3A_134 : i1
      %parallel_loop3A_136 = arith.constant 1.000000e+00 : f32
      %parallel_loop3A_137 = arith.constant 0.000000e+00 : f32
      %parallel_loop3A_138 = arith.select %parallel_loop3A_135, %parallel_loop3A_136, %parallel_loop3A_137 : f32
      %parallel_loop3A_139 = vector.broadcast %parallel_loop3A_130 : i32 to vector<16xi32>
      %parallel_loop3A_140 = vector.broadcast %parallel_loop3A_138 : f32 to vector<16xf32>
      %parallel_loop3A_141 = arith.constant 0 : i32
      %parallel_loop3A_142 = arith.constant 768 : i32
      %parallel_loop3A_143 = arith.constant 16 : i32
      scf.for %parallel_loop3A_144 = %parallel_loop3A_141 to %parallel_loop3A_142 step %parallel_loop3A_143  : i32 {
        %parallel_loop3A_145 = arith.index_cast %parallel_loop3A_144 : i32 to index
        %parallel_loop3A_146 = tpu.vector_load %arg11[%parallel_loop3A_145] {strides = array<i32>} : memref<768xi32, #tpu.memory_space<vmem>>, vector<16xi32>,
        %parallel_loop3A_147 = arith.index_cast %parallel_loop3A_144 : i32 to index
        %parallel_loop3A_148 = tpu.vector_load %arg12[%parallel_loop3A_147] {strides = array<i32>} : memref<768xf32, #tpu.memory_space<vmem>>, vector<16xf32>,
        %parallel_loop3A_149 = tpu.vector_load_idx %arg8[%parallel_loop3A_139, %parallel_loop3A_146] : memref<32x768xf32, #tpu.memory_space<vmem>>[vector<16xi32>, vector<16xi32>], vector<16xf32>,
        %parallel_loop3A_150 = tpu.vector_load_idx %arg9[%parallel_loop3A_139, %parallel_loop3A_146] : memref<32x768xf32, #tpu.memory_space<vmem>>[vector<16xi32>, vector<16xi32>], vector<16xf32>,
        %parallel_loop3A_151 = tpu.vector_load_idx %arg10[%parallel_loop3A_139, %parallel_loop3A_146] : memref<32x768xi32, #tpu.memory_space<vmem>>[vector<16xi32>, vector<16xi32>], vector<16xi32>,
        %parallel_loop3A_152 = arith.constant 0 : i32
        %parallel_loop3A_153 = vector.broadcast %parallel_loop3A_152 : i32 to vector<16xi32>
        %parallel_loop3A_154 = arith.cmpi ne, %parallel_loop3A_151, %parallel_loop3A_153 : vector<16xi32>
        %parallel_loop3A_155 = arith.constant 0.000000e+00 : f32
        %parallel_loop3A_156 = vector.broadcast %parallel_loop3A_155 : f32 to vector<16xf32>
        %parallel_loop3A_157 = arith.select %parallel_loop3A_154, %parallel_loop3A_140, %parallel_loop3A_156 : vector<16xi1>, vector<16xf32>
        %parallel_loop3A_158 = arith.mulf %parallel_loop3A_157, %parallel_loop3A_148 : vector<16xf32>
        %parallel_loop3A_159 = arith.constant 1.250000e+00 : f32
        %parallel_loop3A_160 = vector.broadcast %parallel_loop3A_159 : f32 to vector<16xf32>
        %parallel_loop3A_161 = arith.mulf %parallel_loop3A_149, %parallel_loop3A_160 : vector<16xf32>
        %parallel_loop3A_162 = arith.mulf %parallel_loop3A_161, %parallel_loop3A_158 : vector<16xf32>
        %parallel_loop3A_163 = arith.index_cast %parallel_loop3A_75 : i32 to index
        %parallel_loop3A_164 = arith.index_cast %parallel_loop3A_144 : i32 to index
        %parallel_loop3A_165 = tpu.vector_load %arg13[%parallel_loop3A_163, %parallel_loop3A_164] {strides = array<i32>} : memref<24x768xf32, #tpu.memory_space<vmem>>, vector<16xf32>,
        tpu.vector_store %arg13[%parallel_loop3A_163, %parallel_loop3A_164], %parallel_loop3A_162 {strides = array<i32>} : memref<24x768xf32, #tpu.memory_space<vmem>>, vector<16xf32>,
        %parallel_loop3A_166 = arith.constant 1.250000e+00 : f32
        %parallel_loop3A_167 = vector.broadcast %parallel_loop3A_166 : f32 to vector<16xf32>
        %parallel_loop3A_168 = arith.mulf %parallel_loop3A_150, %parallel_loop3A_167 : vector<16xf32>
        %parallel_loop3A_169 = arith.mulf %parallel_loop3A_168, %parallel_loop3A_158 : vector<16xf32>
        %parallel_loop3A_170 = arith.index_cast %parallel_loop3A_75 : i32 to index
        %parallel_loop3A_171 = arith.index_cast %parallel_loop3A_144 : i32 to index
        %parallel_loop3A_172 = tpu.vector_load %arg14[%parallel_loop3A_170, %parallel_loop3A_171] {strides = array<i32>} : memref<24x768xf32, #tpu.memory_space<vmem>>, vector<16xf32>,
        tpu.vector_store %arg14[%parallel_loop3A_170, %parallel_loop3A_171], %parallel_loop3A_169 {strides = array<i32>} : memref<24x768xf32, #tpu.memory_space<vmem>>, vector<16xf32>,
        %parallel_loop3A_173 = arith.index_cast %parallel_loop3A_75 : i32 to index
        %parallel_loop3A_174 = arith.index_cast %parallel_loop3A_144 : i32 to index
        %parallel_loop3A_175 = tpu.vector_load %arg15[%parallel_loop3A_173, %parallel_loop3A_174] {strides = array<i32>} : memref<24x768xf32, #tpu.memory_space<vmem>>, vector<16xf32>,
        tpu.vector_store %arg15[%parallel_loop3A_173, %parallel_loop3A_174], %parallel_loop3A_158 {strides = array<i32>} : memref<24x768xf32, #tpu.memory_space<vmem>>, vector<16xf32>,
      } {sc.loop_unroll_factor = 4 : i64, sc.parallel_access}
    } {sc.loop_unroll_factor = 1 : i64, sc.parallel_access}
    %run_scoped3A_73 = arith.constant 0 : i32
    "tpu.region"() ({
      %run_scoped3A_75 = tpu.sem_alloc : memref<!tpu.dma_semaphore, #tpu.memory_space<semaphore_mem>>
      %dma_start3A = arith.constant 0 : i32
      %dma_start3A_76 = tpu.memref_slice %arg6[%run_scoped3A_73, %mul3A_2, %dma_start3A] : memref<2x768x768xf32, #tpu.memory_space<hbm>> -> memref<1x24x768xf32, #tpu.memory_space<hbm>>
      %dma_start3A_77 = tpu.memref_squeeze %dma_start3A_76 : memref<1x24x768xf32, #tpu.memory_space<hbm>> -> memref<24x768xf32, #tpu.memory_space<hbm>>
      %dma_start3A_78 = arith.constant 0 : i32
      %dma_start3A_79 = tpu.memref_slice %arg6[%run_scoped3A_73, %mul3A_2, %dma_start3A_78] : memref<2x768x768xf32, #tpu.memory_space<hbm>> -> memref<1x24x768xf32, #tpu.memory_space<hbm>>
      %dma_start3A_80 = tpu.memref_squeeze %dma_start3A_79 : memref<1x24x768xf32, #tpu.memory_space<hbm>> -> memref<24x768xf32, #tpu.memory_space<hbm>>
      tpu.enqueue_dma source(%arg13 : memref<24x768xf32, #tpu.memory_space<vmem>>) target(%dma_start3A_80 : memref<24x768xf32, #tpu.memory_space<hbm>>) target_semaphore(%run_scoped3A_75 : memref<!tpu.dma_semaphore, #tpu.memory_space<semaphore_mem>>)
      %dma_wait3A = arith.constant 0 : i32
      %dma_wait3A_81 = tpu.memref_slice %arg6[%run_scoped3A_73, %mul3A_2, %dma_wait3A] : memref<2x768x768xf32, #tpu.memory_space<hbm>> -> memref<1x24x768xf32, #tpu.memory_space<hbm>>
      %dma_wait3A_82 = tpu.memref_squeeze %dma_wait3A_81 : memref<1x24x768xf32, #tpu.memory_space<hbm>> -> memref<24x768xf32, #tpu.memory_space<hbm>>
      %dma_wait3A_83 = arith.constant 0 : i32
      %dma_wait3A_84 = tpu.memref_slice %arg6[%run_scoped3A_73, %mul3A_2, %dma_wait3A_83] : memref<2x768x768xf32, #tpu.memory_space<hbm>> -> memref<1x24x768xf32, #tpu.memory_space<hbm>>
      %dma_wait3A_85 = tpu.memref_squeeze %dma_wait3A_84 : memref<1x24x768xf32, #tpu.memory_space<hbm>> -> memref<24x768xf32, #tpu.memory_space<hbm>>
      tpu.wait_dma2 semaphore(%run_scoped3A_75 : memref<!tpu.dma_semaphore, #tpu.memory_space<semaphore_mem>>) src(%arg13 : memref<24x768xf32, #tpu.memory_space<vmem>>) dst(%dma_wait3A_85 : memref<24x768xf32, #tpu.memory_space<hbm>>)
      tpu.yield
    }) : () -> ()
    %run_scoped3A_74 = arith.constant 1 : i32
    "tpu.region"() ({
      %run_scoped3A_75 = tpu.sem_alloc : memref<!tpu.dma_semaphore, #tpu.memory_space<semaphore_mem>>
      %dma_start3A = arith.constant 0 : i32
      %dma_start3A_76 = tpu.memref_slice %arg6[%run_scoped3A_74, %mul3A_2, %dma_start3A] : memref<2x768x768xf32, #tpu.memory_space<hbm>> -> memref<1x24x768xf32, #tpu.memory_space<hbm>>
      %dma_start3A_77 = tpu.memref_squeeze %dma_start3A_76 : memref<1x24x768xf32, #tpu.memory_space<hbm>> -> memref<24x768xf32, #tpu.memory_space<hbm>>
      %dma_start3A_78 = arith.constant 0 : i32
      %dma_start3A_79 = tpu.memref_slice %arg6[%run_scoped3A_74, %mul3A_2, %dma_start3A_78] : memref<2x768x768xf32, #tpu.memory_space<hbm>> -> memref<1x24x768xf32, #tpu.memory_space<hbm>>
      %dma_start3A_80 = tpu.memref_squeeze %dma_start3A_79 : memref<1x24x768xf32, #tpu.memory_space<hbm>> -> memref<24x768xf32, #tpu.memory_space<hbm>>
      tpu.enqueue_dma source(%arg14 : memref<24x768xf32, #tpu.memory_space<vmem>>) target(%dma_start3A_80 : memref<24x768xf32, #tpu.memory_space<hbm>>) target_semaphore(%run_scoped3A_75 : memref<!tpu.dma_semaphore, #tpu.memory_space<semaphore_mem>>)
      %dma_wait3A = arith.constant 0 : i32
      %dma_wait3A_81 = tpu.memref_slice %arg6[%run_scoped3A_74, %mul3A_2, %dma_wait3A] : memref<2x768x768xf32, #tpu.memory_space<hbm>> -> memref<1x24x768xf32, #tpu.memory_space<hbm>>
      %dma_wait3A_82 = tpu.memref_squeeze %dma_wait3A_81 : memref<1x24x768xf32, #tpu.memory_space<hbm>> -> memref<24x768xf32, #tpu.memory_space<hbm>>
      %dma_wait3A_83 = arith.constant 0 : i32
      %dma_wait3A_84 = tpu.memref_slice %arg6[%run_scoped3A_74, %mul3A_2, %dma_wait3A_83] : memref<2x768x768xf32, #tpu.memory_space<hbm>> -> memref<1x24x768xf32, #tpu.memory_space<hbm>>
      %dma_wait3A_85 = tpu.memref_squeeze %dma_wait3A_84 : memref<1x24x768xf32, #tpu.memory_space<hbm>> -> memref<24x768xf32, #tpu.memory_space<hbm>>
      tpu.wait_dma2 semaphore(%run_scoped3A_75 : memref<!tpu.dma_semaphore, #tpu.memory_space<semaphore_mem>>) src(%arg14 : memref<24x768xf32, #tpu.memory_space<vmem>>) dst(%dma_wait3A_85 : memref<24x768xf32, #tpu.memory_space<hbm>>)
      tpu.yield
    }) : () -> ()
    "tpu.region"() ({
      %run_scoped3A_75 = tpu.sem_alloc : memref<!tpu.dma_semaphore, #tpu.memory_space<semaphore_mem>>
      %dma_start3A = arith.constant 0 : i32
      %dma_start3A_76 = tpu.memref_slice %arg7[%mul3A_2, %dma_start3A] : memref<768x768xf32, #tpu.memory_space<hbm>> -> memref<24x768xf32, #tpu.memory_space<hbm>>
      %dma_start3A_77 = arith.constant 0 : i32
      %dma_start3A_78 = tpu.memref_slice %arg7[%mul3A_2, %dma_start3A_77] : memref<768x768xf32, #tpu.memory_space<hbm>> -> memref<24x768xf32, #tpu.memory_space<hbm>>
      tpu.enqueue_dma source(%arg15 : memref<24x768xf32, #tpu.memory_space<vmem>>) target(%dma_start3A_78 : memref<24x768xf32, #tpu.memory_space<hbm>>) target_semaphore(%run_scoped3A_75 : memref<!tpu.dma_semaphore, #tpu.memory_space<semaphore_mem>>)
      %dma_wait3A = arith.constant 0 : i32
      %dma_wait3A_79 = tpu.memref_slice %arg7[%mul3A_2, %dma_wait3A] : memref<768x768xf32, #tpu.memory_space<hbm>> -> memref<24x768xf32, #tpu.memory_space<hbm>>
      %dma_wait3A_80 = arith.constant 0 : i32
      %dma_wait3A_81 = tpu.memref_slice %arg7[%mul3A_2, %dma_wait3A_80] : memref<768x768xf32, #tpu.memory_space<hbm>> -> memref<24x768xf32, #tpu.memory_space<hbm>>
      tpu.wait_dma2 semaphore(%run_scoped3A_75 : memref<!tpu.dma_semaphore, #tpu.memory_space<semaphore_mem>>) src(%arg15 : memref<24x768xf32, #tpu.memory_space<vmem>>) dst(%dma_wait3A_81 : memref<24x768xf32, #tpu.memory_space<hbm>>)
      tpu.yield
    }) : () -> ()
    return
  }
}

module attributes {stable_mosaic.version = 14 : i64} {
  func.func @body(%arg0: i32, %arg1: memref<1x1024x1024xf32, #tpu.memory_space<vmem>>, %arg2: memref<1x1024x1024xf32, #tpu.memory_space<vmem>>, %arg3: memref<768x1024xf32, #tpu.memory_space<vmem>>, %arg4: memref<1024x768xf32, #tpu.memory_space<vmem>>, %arg5: memref<1x768x768xf32, #tpu.memory_space<vmem>>, %arg6: memref<1x768x768xf32, #tpu.memory_space<vmem>>) attributes {dimension_semantics = [#tpu.dimension_semantics<arbitrary>], iteration_bounds = array<i64: 3>, scalar_prefetch = 0 : i64, scratch_operands = 0 : i64, tpu.core_type = #tpu.core_type<tc>, window_params = [{transform_indices = @transform_0, window_bounds = array<i64: 1, 1024, 1024>}, {transform_indices = @transform_1, window_bounds = array<i64: 1, 1024, 1024>}, {pipeline_mode = #tpu.pipeline_mode<synchronous>, transform_indices = @transform_2, window_bounds = array<i64: 768, 1024>}, {pipeline_mode = #tpu.pipeline_mode<synchronous>, transform_indices = @transform_3, window_bounds = array<i64: 1024, 768>}, {transform_indices = @transform_4, window_bounds = array<i64: 1, 768, 768>}, {transform_indices = @transform_5, window_bounds = array<i64: 1, 768, 768>}]} {
    %get3A = arith.constant 0 : index
    %get3A_0 = arith.constant 0 : index
    %get3A_1 = vector.load %arg3[%get3A, %get3A_0] : memref<768x1024xf32, #tpu.memory_space<vmem>>, vector<768x1024xf32>
    %convert_element_type3A = arith.truncf %get3A_1 : vector<768x1024xf32> to vector<768x1024xbf16>
    %get3A_2 = arith.constant 0 : index
    %get3A_3 = arith.constant 0 : index
    %get3A_4 = vector.load %arg4[%get3A_2, %get3A_3] : memref<1024x768xf32, #tpu.memory_space<vmem>>, vector<1024x768xf32>
    %convert_element_type3A_5 = arith.truncf %get3A_4 : vector<1024x768xf32> to vector<1024x768xbf16>
    %get3A_6 = arith.constant 0 : index
    %get3A_7 = arith.constant 0 : index
    %get3A_8 = arith.constant 0 : index
    %get3A_9 = vector.load %arg1[%get3A_6, %get3A_7, %get3A_8] : memref<1x1024x1024xf32, #tpu.memory_space<vmem>>, vector<1x1024x1024xf32>
    %get3A_10 = vector.shape_cast %get3A_9 : vector<1x1024x1024xf32> to vector<1024x1024xf32>
    %convert_element_type3A_11 = arith.truncf %get3A_10 : vector<1024x1024xf32> to vector<1024x1024xbf16>
    %get3A_12 = arith.constant 0 : index
    %get3A_13 = arith.constant 0 : index
    %get3A_14 = arith.constant 0 : index
    %get3A_15 = vector.load %arg2[%get3A_12, %get3A_13, %get3A_14] : memref<1x1024x1024xf32, #tpu.memory_space<vmem>>, vector<1x1024x1024xf32>
    %get3A_16 = vector.shape_cast %get3A_15 : vector<1x1024x1024xf32> to vector<1024x1024xf32>
    %convert_element_type3A_17 = arith.truncf %get3A_16 : vector<1024x1024xf32> to vector<1024x1024xbf16>
    %dot_general3A = arith.constant dense<0.000000e+00> : vector<768x1024xf32>
    %dot_general3A_18 = tpu.matmul %convert_element_type3A, %convert_element_type3A_11, %dot_general3A {dimension_numbers = #tpu.dot_dimension_numbers<[1], [0], [0], [1], [0, 0, 1, 1], [], []>, transpose_lhs_hint = false} : vector<768x1024xbf16>, vector<1024x1024xbf16>, vector<768x1024xf32> -> vector<768x1024xf32>
    %dot_general3A_19 = arith.constant dense<0.000000e+00> : vector<768x1024xf32>
    %dot_general3A_20 = tpu.matmul %convert_element_type3A, %convert_element_type3A_17, %dot_general3A_19 {dimension_numbers = #tpu.dot_dimension_numbers<[1], [0], [0], [1], [0, 0, 1, 1], [], []>, transpose_lhs_hint = false} : vector<768x1024xbf16>, vector<1024x1024xbf16>, vector<768x1024xf32> -> vector<768x1024xf32>
    %convert_element_type3A_21 = arith.truncf %dot_general3A_18 : vector<768x1024xf32> to vector<768x1024xbf16>
    %dot_general3A_22 = arith.constant dense<0.000000e+00> : vector<768x768xf32>
    %dot_general3A_23 = tpu.matmul %convert_element_type3A_21, %convert_element_type3A_5, %dot_general3A_22 {dimension_numbers = #tpu.dot_dimension_numbers<[1], [0], [0], [1], [0, 0, 1, 1], [], []>, transpose_lhs_hint = false} : vector<768x1024xbf16>, vector<1024x768xbf16>, vector<768x768xf32> -> vector<768x768xf32>
    %swap3A = arith.constant 0 : index
    %swap3A_24 = arith.constant 0 : index
    %swap3A_25 = arith.constant 0 : index
    %swap3A_26 = vector.load %arg5[%swap3A, %swap3A_24, %swap3A_25] : memref<1x768x768xf32, #tpu.memory_space<vmem>>, vector<1x768x768xf32>
    %swap3A_27 = vector.shape_cast %swap3A_26 : vector<1x768x768xf32> to vector<768x768xf32>
    %swap3A_28 = vector.shape_cast %dot_general3A_23 : vector<768x768xf32> to vector<1x768x768xf32>
    tpu.vector_store %arg5[%swap3A, %swap3A_24, %swap3A_25], %swap3A_28 {strides = array<i32>} : memref<1x768x768xf32, #tpu.memory_space<vmem>>, vector<1x768x768xf32>,
    %convert_element_type3A_29 = arith.truncf %dot_general3A_20 : vector<768x1024xf32> to vector<768x1024xbf16>
    %dot_general3A_30 = arith.constant dense<0.000000e+00> : vector<768x768xf32>
    %dot_general3A_31 = tpu.matmul %convert_element_type3A_29, %convert_element_type3A_5, %dot_general3A_30 {dimension_numbers = #tpu.dot_dimension_numbers<[1], [0], [0], [1], [0, 0, 1, 1], [], []>, transpose_lhs_hint = false} : vector<768x1024xbf16>, vector<1024x768xbf16>, vector<768x768xf32> -> vector<768x768xf32>
    %swap3A_32 = arith.constant 0 : index
    %swap3A_33 = arith.constant 0 : index
    %swap3A_34 = arith.constant 0 : index
    %swap3A_35 = vector.load %arg6[%swap3A_32, %swap3A_33, %swap3A_34] : memref<1x768x768xf32, #tpu.memory_space<vmem>>, vector<1x768x768xf32>
    %swap3A_36 = vector.shape_cast %swap3A_35 : vector<1x768x768xf32> to vector<768x768xf32>
    %swap3A_37 = vector.shape_cast %dot_general3A_31 : vector<768x768xf32> to vector<1x768x768xf32>
    tpu.vector_store %arg6[%swap3A_32, %swap3A_33, %swap3A_34], %swap3A_37 {strides = array<i32>} : memref<1x768x768xf32, #tpu.memory_space<vmem>>, vector<1x768x768xf32>,
    return
  }
  func.func @transform_0(%arg0: i32) -> (i32, i32, i32) {
    %c0_i32 = arith.constant 0 : i32
    %c0_i32_0 = arith.constant 0 : i32
    %c0_i32_1 = arith.constant 0 : i32
    return %arg0, %c0_i32, %c0_i32_0 : i32, i32, i32
  }
  func.func @transform_1(%arg0: i32) -> (i32, i32, i32) {
    %c0_i32 = arith.constant 0 : i32
    %c0_i32_0 = arith.constant 0 : i32
    %c0_i32_1 = arith.constant 0 : i32
    return %arg0, %c0_i32, %c0_i32_0 : i32, i32, i32
  }
  func.func @transform_2(%arg0: i32) -> (i32, i32) {
    %c0_i32 = arith.constant 0 : i32
    %c0_i32_0 = arith.constant 0 : i32
    %c0_i32_1 = arith.constant 0 : i32
    return %c0_i32, %c0_i32_0 : i32, i32
  }
  func.func @transform_3(%arg0: i32) -> (i32, i32) {
    %c0_i32 = arith.constant 0 : i32
    %c0_i32_0 = arith.constant 0 : i32
    %c0_i32_1 = arith.constant 0 : i32
    return %c0_i32, %c0_i32_0 : i32, i32
  }
  func.func @transform_4(%arg0: i32) -> (i32, i32, i32) {
    %c0_i32 = arith.constant 0 : i32
    %c0_i32_0 = arith.constant 0 : i32
    %c0_i32_1 = arith.constant 0 : i32
    return %arg0, %c0_i32, %c0_i32_0 : i32, i32, i32
  }
  func.func @transform_5(%arg0: i32) -> (i32, i32, i32) {
    %c0_i32 = arith.constant 0 : i32
    %c0_i32_0 = arith.constant 0 : i32
    %c0_i32_1 = arith.constant 0 : i32
    return %arg0, %c0_i32, %c0_i32_0 : i32, i32, i32
  }
}

</mosaic_0001>

<sc_bundles>
// kernel: kernel.4.cloned.1.call-start
scs
__scs_entry_jumppad:
0x0: {  	(pc) =	sbr.rel $0x88, $3  }
0x1: {  	(tag) =	ssettag $0x0;
	lr =	simm.s32 $0x1  }
0x2: {  	[smem:$0x3F9D] =	sst lr;
	_ =	strace $0xD0000000  }
0x3: {  	_ = 	snop  }
0x4: {  	_ = 	snop  }
0x5: {  	_ = 	snop  }
0x6: {  	_ = 	snop  }
0x7: {  	_ = 	snop  }
__scs_overlays_trampoline_lowered:
0x8: {  	[smem:$0x3FAC] =	sst s0  }
0x9: {  	[smem:$0x3FAD] =	sst s1  }
0xa: {  	[smem:$0x3FAE] =	sst s2  }
0xb: {  	[smem:$0x3FAF] =	sst s3  }
0xc: {  	[smem:$0x3FB0] =	sst s4  }
0xd: {  	[smem:$0x3FB1] =	sst s5  }
0xe: {  	[smem:$0x3FB2] =	sst s6  }
0xf: {  	[smem:$0x3FB3] =	sst s7  }
0x10: {  	[smem:$0x3FB4] =	sst s8  }
0x11: {  	[smem:$0x3FB5] =	sst s9;
	s0 =	simm.s32 @!p0 $0x0  }
0x12: {  	s1 =	sld [smem:$0x3F9B];
	s0 =	simm.s32 @p0 $0x1  }
0x13: {  	[smem:$0x3FB6] =	sst s0;
	s0 =	simm.s32 @!p1 $0x0  }
0x14: {  	s2 =	sld [smem:$0x3F9A];
	s0 =	simm.s32 @p1 $0x1  }
0x15: {  	[smem:$0x3FB7] =	sst s0;
	s0 =	simm.s32 @!p2 $0x0  }
0x16: {  	s3 =	sld [smem:$0x3FDB];
	s0 =	simm.s32 @p2 $0x1  }
0x17: {  	s4 =	simm.s32 $0x1BF5;
	[smem:$0x3FB9] =	sst s0  }
0x18: {  	s0 =	sld [smem:$0x3F9C];
	_ =	swait.ge [sflag:s4], $0x0  }
0x19: {  	s7 =	sld [smem:$0x3F9D]  }
0x1a: {  	s8 =	sadd.s32 $0xFFFFE003, lr  }
0x1b: {  	s9 =	sadd.s32 $0xFFFFFEF7, lr;
	s5 =	simm.s32 $0xFFFFFFFF;
	p2 =	slt.u32 s8, $0xFFFFF086  }
0x1c: {  	p1 =	slt.u32 s9, $0xF7A;
	s5 =	simm.s32 @!p2 $0x0  }
0x1d: {  	s5 =	simm.s32 @p1 $0x1;
	p0 =	seq.s32 s7, s2  }
0x1e: {  	s7 =	smul.u32 @!p0 $0xF7A, s2;
	p2 =	seq.s32 @!p0 s5, $0x0  }
0x1f: {  	s9 =	smul.u32 $0xF7A, s1;
	s8 =	simm.s32 @!p0 $0x1BF5;
	p2 =	por !p2, p0  }
0x20: {  	[sflag:s8] =	ssyncset.s32 @!p0 $0xFFFFF086;
	s6 =	sadd.s32 @!p0 s3, s7;
	s7 =	simm.s32 @!p0 $0x108  }
0x21: {  	s3 =	sadd.s32 s3, s9;
	s6 =	sadd.s32 @!p0 $0x88, s6;
	s7 =	simm.s32 @p2 $0x1082  }
0x22: {  	[simem:s7], [sflag:s8] =	dma.local @!p0 [hbm:s6], $0xF7A  }
0x23: {  	s9 =	sor.u32 $0xD0000000, s2;
	s6 =	simm.s32 $0x108;
	_ =	swait.ge @!p0 [sflag:s8], $0x0  }
0x24: {  	s3 =	sadd.s32 $0x88, s3;
	s6 =	simm.s32 @!p1 $0x1082;
	[sflag:s4] =	ssyncset.s32 $0xFFFFF086  }
0x25: {  	[simem:s6], [sflag:s4] =	dma.local [hbm:s3], $0xF7A  }
0x26: {  	[smem:$0x3F9D] =	sst s1;
	(tag) =	ssettag s2;
	_ =	strace s9  }
0x27: {  	s1 =	sld [smem:$0x3FAD]  }
0x28: {  	s2 =	sld [smem:$0x3FAE]  }
0x29: {  	s4 =	sld [smem:$0x3FB0]  }
0x2a: {  	p0 =	seq.s32 s5, $0x0;
	s5 =	sld [smem:$0x3FB1]  }
0x2b: {  	s6 =	sld [smem:$0x3FB2]  }
0x2c: {  	s7 =	sld [smem:$0x3FB3]  }
0x2d: {  	s3 =	simm.s32 $0x108;
	s8 =	sld [smem:$0x3FB4]  }
0x2e: {  	s3 =	simm.s32 @!p0 $0x1082;
	s9 =	sld [smem:$0x3FB5]  }
0x2f: {  	lr =	sadd.s32 s0, s3;
	s0 =	sld [smem:$0x3FAC]  }
0x30: {  	s3 =	sld [smem:$0x3FAF]  }
0x31: {  	[smem:$0x3FB8] =	sst s10  }
0x32: {  	s10 =	sld [smem:$0x3FB6];
	_ =	sdelay $0x3  }
0x33: {  	p0 =	seq.s32 s10, $0x1;
	s10 =	sld [smem:$0x3FB8];
	_ =	sdelay $0x3  }
0x34: {  	[smem:$0x3FB8] =	sst s10  }
0x35: {  	s10 =	sld [smem:$0x3FB7];
	_ =	sdelay $0x3  }
0x36: {  	p1 =	seq.s32 s10, $0x1;
	s10 =	sld [smem:$0x3FB8];
	_ =	sdelay $0x3  }
0x37: {  	[smem:$0x3FB8] =	sst s10  }
0x38: {  	s10 =	sld [smem:$0x3FB9]  }
0x39: {  	_ = 	snop;
	(pc) =	sbr.ind lr, $3  }
0x3a: {  	_ = 	snop  }
0x3b: {  	_ = 	snop  }
0x3c: {  	p2 =	seq.s32 s10, $0x1;
	s10 =	sld [smem:$0x3FB8]  }
0x3d: {  	_ =	shalt  }
0x3e: {  	_ =	shalt  }
0x3f: {  	_ =	shalt  }
0x40: {  	_ =	shalt  }
0x41: {  	_ =	shalt  }
0x42: {  	_ =	shalt  }
0x43: {  	_ =	shalt  }
0x44: {  	_ =	shalt  }
0x45: {  	_ =	shalt  }
0x46: {  	_ =	shalt  }
0x47: {  	_ =	shalt  }
0x48: {  	_ =	shalt  }
0x49: {  	_ =	shalt  }
0x4a: {  	_ =	shalt  }
0x4b: {  	_ =	shalt  }
0x4c: {  	_ =	shalt  }
0x4d: {  	_ =	shalt  }
0x4e: {  	_ =	shalt  }
0x4f: {  	_ =	shalt  }
0x50: {  	_ =	shalt  }
0x51: {  	_ =	shalt  }
0x52: {  	_ =	shalt  }
0x53: {  	_ =	shalt  }
0x54: {  	_ =	shalt  }
0x55: {  	_ =	shalt  }
0x56: {  	_ =	shalt  }
0x57: {  	_ =	shalt  }
0x58: {  	_ =	shalt  }
0x59: {  	_ =	shalt  }
0x5a: {  	_ =	shalt  }
0x5b: {  	_ =	shalt  }
0x5c: {  	_ =	shalt  }
0x5d: {  	_ =	shalt  }
0x5e: {  	_ =	shalt  }
0x5f: {  	_ =	shalt  }
0x60: {  	_ =	shalt  }
0x61: {  	_ =	shalt  }
0x62: {  	_ =	shalt  }
0x63: {  	_ =	shalt  }
0x64: {  	_ =	shalt  }
0x65: {  	_ =	shalt  }
0x66: {  	_ =	shalt  }
0x67: {  	_ =	shalt  }
0x68: {  	_ =	shalt  }
0x69: {  	_ =	shalt  }
0x6a: {  	_ =	shalt  }
0x6b: {  	_ =	shalt  }
0x6c: {  	_ =	shalt  }
0x6d: {  	_ =	shalt  }
0x6e: {  	_ =	shalt  }
0x6f: {  	_ =	shalt  }
0x70: {  	_ =	shalt  }
0x71: {  	_ =	shalt  }
0x72: {  	_ =	shalt  }
0x73: {  	_ =	shalt  }
0x74: {  	_ =	shalt  }
0x75: {  	_ =	shalt  }
0x76: {  	_ =	shalt  }
0x77: {  	_ =	shalt  }
0x78: {  	_ =	shalt  }
0x79: {  	_ =	shalt  }
0x7a: {  	_ =	shalt  }
0x7b: {  	_ =	shalt  }
0x7c: {  	_ =	shalt  }
0x7d: {  	_ =	shalt  }
0x7e: {  	_ =	shalt  }
0x7f: {  	_ =	shalt  }
0x80: {  	_ =	shalt  }
0x81: {  	_ =	shalt  }
0x82: {  	_ =	shalt  }
0x83: {  	_ =	shalt  }
0x84: {  	_ =	shalt  }
0x85: {  	_ =	shalt  }
0x86: {  	_ =	shalt  }
0x87: {  	_ =	shalt  }
.Lfunc_end0:
.L_simem_size_0:
called_computation_lowered:
.L_overlay_start_0:
0x88: {  	s2 =	sld [smem:$0x3FD9]  }
0x89: {  	s3 =	sld [smem:$0x3FFE];
	_ =	sdelay $0x1  }
0x8a: {  	s1 =	srdreg.scid  }
0x8b: {  	s0 =	sand.u32 $0x1, s1  }
0x8c: {  	s14 =	sshll.u32 s0, $0xA;
	s2 =	sadd.s32 s3, s2  }
0x8d: {  	s2 =	sadd.s32 s2, s14  }
0x8e: {  	[smem:$0x3FC4] =	sst s2  }
0x8f: {  	_ = 	snop  }
0x90: {  	s2 =	sld [smem:$0x3FD0];
	_ =	sdelay $0x1  }
0x91: {  	s15 =	sld [smem:$0x3FC7]  }
0x92: {  	s5 =	simm.s32 $0xA;
	s6 =	simm.s32 $0x10;
	s4 =	sld [smem:$0x3FC6]  }
0x93: {  	[smem:s6], [sflag:s5] =	dma.local [hbm:s2], $0x1  }
0x94: {  	_ =	swait.eq [sflag:s5], $0x1  }
0x95: {  	[sflag:s5] =	ssyncset.done $0x0  }
0x96: {  	s16 =	sld [smem:$0x12];
	[sflag:s5] =	ssyncadd.s32 $0xFFFFFFFF  }
0x97: {  	s17 =	sld [smem:$0x13];
	(tm) =	ssettm $0x1  }
0x98: {  	s18 =	sld [smem:$0x3FFB];
	_ =	sdelay $0x3  }
0x99: {  	_ =	strace s18  }
0x9a: {  	s6 =	sld [smem:$0x3FFC];
	_ =	sdelay $0x3  }
0x9b: {  	_ =	strace s6  }
0x9c: {  	s6 =	sld [smem:$0x3FFD];
	_ =	sdelay $0x3  }
0x9d: {  	_ =	strace s6  }
0x9e: {  	_ =	strace $0x8FFFFFFF  }
0x9f: {  	s19 =	sld [smem:$0x3FDB];
	_ =	sdelay $0x1  }
0xa0: {  	s7 =	simm.s32 $_scs_section_size  }
0xa1: {  	s8 =	simm.s32 $_size__tile_overlayer_lowered;
	s9 =	simm.s32 $_tile_overlayer_lowered  }
0xa2: {  	s22 =	simm.s32 $0x1BFF;
	s21 =	sshll.u32 s9, $0x1;
	s6 =	sadd.s32 s7, s19  }
0xa3: {  	s10 =	simm.s32 $0x0;
	s20 =	sshll.u32 s8, $0x1;
	s8 =	sadd.s32 s21, s6  }
0xa4: {  	[timem:s10], [sflag:s22] =	dma.local [hbm:s8], s20  }
0xa5: {  	_ =	swait.ge [sflag:s22], s20  }
0xa6: {  	s7 =	ssub.s32 $0x0, s20;
	[sflag:s22] =	ssyncset.done $0x0  }
0xa7: {  	[sflag:s22] =	ssyncadd.s32 s7;
	_ =	sdelay $0x1  }
0xa8: {  	s23 =	simm.s32 $0x1B8B  }
0xa9: {  	_ =	swait.ge [sflag:s23], $0x1  }
0xaa: {  	[sflag:s23] =	ssyncset.done $0x0  }
0xab: {  	s25 =	simm.s32 $0x1B8E;
	s24 =	sld [smem:$0x3FFE];
	[sflag:s23] =	ssyncadd.s32 $0xFFFFFFFF  }
0xac: {  	s26 =	simm.s32 $execute0_lowered;
	[smem:$0x3FD2] =	sst s25  }
0xad: {  	s8 =	sshll.u32 s26, $0x1;
	_ =	strace $0x80000046;
	[dreg:$0x1] =	wrdreg $0xFFFFFFFF  }
0xae: {  	s28 =	simm.s32 $_size_execute0_lowered;
	s6 =	sadd.s32 s6, s8;
	[dreg:$0x0] =	wrdreg $0x0  }
0xaf: {  	s8 =	sshll.u32 s28, $0x1;
	[dreg:$0x2] =	wrdreg s6  }
0xb0: {  	[dreg:$0x3] =	wrdreg s8  }
0xb1: {  	[dreg:$0x4] =	wrdreg $0xC0  }
0xb2: {  	_ =	task [dreg:s10], $0x5FFFF  }
0xb3: {  	[dreg:$0x1] =	wrdreg $0xFFFFFFFF  }
0xb4: {  	[dreg:$0x0] =	wrdreg $0x60  }
0xb5: {  	[dreg:$0x2] =	wrdreg s15  }
0xb6: {  	[dreg:$0x3] =	wrdreg s4  }
0xb7: {  	[dreg:$0x4] =	wrdreg s24  }
0xb8: {  	[dreg:$0x5] =	wrdreg s16  }
0xb9: {  	[dreg:$0x6] =	wrdreg s17  }
0xba: {  	[dreg:$0x7] =	wrdreg $0x9  }
0xbb: {  	_ =	task.clear_ibuf [dreg:s10], $0x8FFFF;
	_ =	strace $0x90000046  }
0xbc: {  	s29 =	simm.s32 $0x9;
	_ =	strace $0x80000048  }
0xbd: {  	_ =	swait.ge [sflag:s29], $0x1  }
0xbe: {  	[sflag:s29] =	ssyncadd.s32 $0xFFFFFFFF  }
0xbf: {  	_ =	strace $0x90000048  }
0xc0: {  	_ =	sfence  }
0xc1: {  	s30 =	sld [smem:$0x0];
	_ =	sdelay $0x2  }
0xc2: {  	s31 =	sshll.u32 s1, $0xD;
	s1 =	sshrl.u32 s1, $0x2  }
0xc3: {  	s3 =	sand.u32 $0x4000, s31;
	s1 =	sadd.s32 s1, s30  }
0xc4: {  	s0 =	sor.u32 s3, s0;
	s1 =	sshll.u32 s1, $0x11  }
0xc5: {  	s0 =	sor.u32 s1, s0  }
0xc6: {  	s0 =	sadd.s32 $0x8F2B, s0  }
0xc7: {  	[sflag:s0] =	ssyncadd.remote.s32 $0x1  }
0xc8: {  	_ =	sfence.sel $0xFFFF  }
0xc9: {  	[dreg:$0x0] =	wrdreg $0xFFFFFFFF;
	(pc) =	sbr.abs _section_cstart, $3  }
0xca: {  	[dreg:$0x1] =	wrdreg $0xFFFFFFFF  }
0xcb: {  	_ =	task.clear_ibuf [dreg:s10], $0x2FFFF;
	_ =	strace $0x9FFFFFFF  }
0xcc: {  	(tm) =	ssettm $0x7FFFFFFF  }
0xcd: {  	_ =	shalt  }
tec
execute0_lowered:
.L_overlay_start_1:
0x0: {  	(tag) =	ssettag $0x1  }
0x1: {  	s0 =	srdreg.scid;
	s1 =	stileid.u32  }
0x2: {  	s4 =	rddreg [dreg:$0x0];
	s0 =	sand.u32 $0x1, s0;
	s1 =	sshll.u32 s1, $0x1  }
0x3: {  	s5 =	rddreg [dreg:$0x1];
	s1 =	sor.u32 s0, s1  }
0x4: {  	s6 =	rddreg [dreg:$0x2];
	s1 =	smul.u32 $0x18, s1  }
0x5: {  	s8 =	rddreg [dreg:$0x3]  }
0x6: {  	s10 =	rddreg [dreg:$0x4];
	s2 =	sadd.s32 $0xC8, s1  }
0x7: {  	s3 =	simm.s32 $0x0;
	s17 =	simm.s32 $0x1800;
	s7 =	smul.u32 $0x199A, s2  }
0x8: {  	s18 =	simm.s32 $0x2000;
	s19 =	simm.s32 $0x6000;
	[smem:$0x7FF] =	sst s3  }
0x9: {  	s11 =	sadd.s32 $0x1200, s6;
	s6 =	sadd.s32 $0x1000, s6;
	s9 =	sshrl.u32 s7, $0x10  }
0xa: {  	_ =	strace $0x80000047;
	[dreg:$0x6] =	wrdreg s11;
	s9 =	smul.u32 $0xA, s9  }
0xb: {  	s11 =	simm.s32 $0x1;
	[dreg:$0x7] =	wrdreg s6;
	s0 =	ssub.s32 $0x2, s0  }
0xc: {  	s28 =	sshrl.u32 s0, $0x1;
	s7 =	sshrl.u32 s7, $0xD;
	s9 =	ssub.s32 s2, s9  }
0xd: {  	s1 =	sshrl.u32 s1, $0x3;
	s7 =	sand.u32 $0xFFF8, s7;
	s9 =	sand.u32 $0xFFFE, s9  }
0xe: {  	s1 =	smul.u32 $0x1800, s1;
	s7 =	sadd.s32 s9, s7;
	p0 =	sgt.u32 s9, $0x3  }
0xf: {  	s11 =	simm.s32 @!p0 $0x0;
	p0 =	sgt.u32 s9, $0x7;
	s9 =	simm.s32 $0x1  }
0x10: {  	s0 =	ssub.s32 s0, s28;
	s26 =	ssub.s32 s7, s11;
	s9 =	simm.s32 @!p0 $0x0  }
0x11: {  	s0 =	smax.u32 s0, $0x1;
	s1 =	sshrl.u32 s1, $0x3;
	s7 =	ssub.s32 s26, s9  }
0x12: {  	[dreg:$0xe] =	wrdreg s0;
	s8 =	sadd.s32 s8, s1;
	s9 =	sshll.u32 s7, $0x7  }
0x13: {  	s1 =	sadd.s32 s10, s1;
	[dreg:$0x9] =	wrdreg s8;
	s9 =	sand.u32 $0xFFFFC00, s9  }
0x14: {  	s31 =	sadd.s32 $0x12000, s8;
	[dreg:$0xd] =	wrdreg s1;
	s29 =	sor.u32 $0x80, s9  }
0x15: {  	s20 =	simm.s32 $0xC000;
	[dreg:$0xc] =	wrdreg s31;
	s12 =	sadd.s32 s4, s29  }
0x16: {  	s4 =	sadd.s32 s4, s9;
	s30 =	sadd.s32 s5, s29;
	[dreg:$0x8] =	wrdreg s12  }
0x17: {  	s24 =	simm.s32 $0x0;
	s4 =	sadd.s32 $0x20080, s4;
	[dreg:$0xb] =	wrdreg s30  }
0x18: {  	s6 =	simm.s32 $0x1;
	s7 =	sand.u32 $0xFFFFFFF8, s7;
	[dreg:$0xa] =	wrdreg s4  }
.LBB2_1:
0x19: {  	s0 =	rddreg [dreg:$0x6];
	s1 =	simm.s32 $0x12000  }
0x1a: {  	[tilespmem:s1], [sflag:$0x1] =	stream.linear.gather [hbm4b:s0+s3], $0x300, $0x38;
	[tilespmem:$0x1FE00] =	vst v63  }
0x1b: {  	_ =	swait.ge [sflag:s6], $0x300  }
0x1c: {  	[sflag:s6] =	ssyncset.done $0x0  }
0x1d: {  	s28 =	simm.s32 $0x12300;
	s26 =	rddreg [dreg:$0x7];
	[sflag:s6] =	ssyncadd.s32 $0xFFFFFD00  }
0x1e: {  	[tilespmem:s28], [sflag:$0x1] =	stream.linear.gather [hbm4b:s26+s3], $0x300, $0x38;
	[tilespmem:$0x1FE00] =	vst v63  }
0x1f: {  	_ =	swait.ge [sflag:s6], $0x300  }
0x20: {  	[sflag:s6] =	ssyncset.done $0x0  }
0x21: {  	s29 =	rddreg [dreg:$0x8];
	[sflag:s6] =	ssyncadd.s32 $0xFFFFFD00  }
0x22: {  	[tilespmem:s3], [sflag:$0x1] =	stream.strided.gather [hbm4b:s29+s17], $0x6000, s18, s17, $0x38;
	[tilespmem:$0x1FE00] =	vst v63  }
0x23: {  	_ =	swait.ge [sflag:s6], $0x6000  }
0x24: {  	[sflag:s6] =	ssyncset.done $0x0  }
0x25: {  	s30 =	rddreg [dreg:$0xa];
	[sflag:s6] =	ssyncadd.s32 $0xFFFFA000  }
0x26: {  	[tilespmem:s19], [sflag:$0x1] =	stream.strided.gather [hbm4b:s30+s17], $0x6000, s18, s17, $0x38;
	[tilespmem:$0x1FE00] =	vst v63  }
0x27: {  	_ =	swait.ge [sflag:s6], $0x6000  }
0x28: {  	[sflag:s6] =	ssyncset.done $0x0  }
0x29: {  	s31 =	rddreg [dreg:$0xb];
	[sflag:s6] =	ssyncadd.s32 $0xFFFFA000  }
0x2a: {  	[tilespmem:s20], [sflag:$0x1] =	stream.strided.gather [hbm4b:s31+s17], $0x6000, s18, s17, $0x38;
	[tilespmem:$0x1FE00] =	vst v63  }
0x2b: {  	_ =	swait.ge [sflag:s6], $0x6000  }
0x2c: {  	[sflag:s6] =	ssyncset.done $0x0  }
0x2d: {  	s25 =	simm.s32 $0x0;
	[sflag:s6] =	ssyncadd.s32 $0xFFFFA000  }
.LBB2_2:
0x2e: {  	s0 =	sadd.s32 s25, s2  }
0x2f: {  	s1 =	smulhi.u32 $0xCCCCCCCD, s0;
	_ =	sdelay $0x1  }
0x30: {  	s4 =	sshrl.u32 s1, $0x3  }
0x31: {  	s4 =	smul.u32 $0xA, s4  }
0x32: {  	s8 =	simm.s32 $0x0;
	s10 =	simm.s32 $0x12000  }
0x33: {  	s11 =	simm.s32 $0x1;
	s5 =	sand.u32 $0x40, s8;
	s0 =	ssub.s32 s0, s4  }
0x34: {  	s8 =	sand.u32 $0x380, s8;
	s1 =	sand.u32 $0xFFFFFFF8, s1;
	s4 =	ssub.s32 s0, s7  }
0x35: {  	p0 =	sgt.u32 s0, $0x3;
	s1 =	sadd.s32 s1, s4;
	s4 =	simm.s32 $0x1  }
0x36: {  	v0 =	vld [tilespmem:s10+$0x0];
	s21 =	sor.u32 $0x30, s5;
	p1 =	sgt.u32 s0, $0x7;
	s4 =	simm.s32 @!p0 $0x0  }
0x37: {  	s14 =	sor.u32 s8, s21;
	s11 =	simm.s32 @!p1 $0x0;
	s1 =	ssub.s32 s1, s4  }
0x38: {  	v3 =	vld [tilespmem:s14+$0x12000];
	s1 =	ssub.s32 s1, s11  }
0x39: {  	s4 =	sor.u32 $0x10, s5;
	v2 =	vmov s1  }
0x3a: {  	s16 =	sor.u32 s8, s4;
	v1 =	vshrl.u32 v2, $0x3  }
0x3b: {  	s22 =	sor.u32 $0x20, s5;
	v4 =	vshll.u32 v0, $0x3;
	v5 =	vld [tilespmem:s16+$0x12000];
	v1 =	vmul.u32 $0x1800, v1  }
0x3c: {  	v0 =	vand.u32 $0x7F, v0;
	v4 =	vand.u32 $0xFFFFFC00, v4;
	s8 =	sor.u32 s8, s22  }
0x3d: {  	s23 =	simm.s32 $0x12300;
	v7 =	vshll.u32 v3, $0x3;
	v6 =	vld [tilespmem:s8+$0x12000];
	v2 =	vshll.u32 v2, $0x7;
	v4 =	vadd.s32 v1, v4  }
0x3e: {  	s26 =	simm.s32 $0x12040;
	s15 =	simm.s32 $0x40;
	v10 =	vld [tilespmem:s23+$0x0];
	v2 =	vand.u32 $0x380, v2;
	v0 =	vor.u32 v0, v4;
	v4 =	vand.u32 $0xFFFFFC00, v7  }
0x3f: {  	v11 =	vld [tilespmem:s26+$0x0];
	s26 =	sand.u32 $0x40, s15;
	v7 =	vand.u32 $0x7F, v3;
	v0 =	vor.u32 v2, v0;
	v4 =	vadd.s32 v1, v4  }
0x40: {  	s30 =	sor.u32 $0x30, s26;
	v8 =	vshll.u32 v5, $0x3;
	v7 =	vor.u32 v7, v4;
	v4 =	vld [tilespmem:s8+$0x12300];
	s8 =	sand.u32 $0x380, s15  }
0x41: {  	s29 =	sor.u32 $0x10, s26;
	v3 =	vld [tilespmem:s16+$0x12300];
	v5 =	vand.u32 $0x7F, v5;
	v8 =	vand.u32 $0xFFFFFC00, v8;
	s16 =	sor.u32 s8, s30  }
0x42: {  	v8 =	vadd.s32 v1, v8;
	v9 =	vor.u32 v2, v7;
	v7 =	vshll.u32 v6, $0x3;
	s10 =	sor.u32 s8, s29;
	v18 =	vld [tilespmem:s16+$0x12000]  }
0x43: {  	v5 =	vor.u32 v5, v8;
	v7 =	vand.u32 $0xFFFFFC00, v7;
	v20 =	vld [tilespmem:s10+$0x12000]  }
0x44: {  	v6 =	vand.u32 $0x7F, v6;
	v13 =	vor.u32 v2, v5;
	v7 =	vadd.s32 v1, v7;
	v8 =	vld.idx.msk [tilespmem:v0+s3+$0x0], $0xffff  }
0x45: {  	v5 =	vor.u32 v6, v7;
	v6 =	vld.idx.msk [tilespmem:v0+s20+$0x0], $0xffff  }
0x46: {  	v7 =	vld.idx.msk [tilespmem:v0+s19+$0x0], $0xffff  }
0x47: {  	s0 =	sand.u32 $0xB, s0;
	v16 =	vor.u32 v2, v5;
	v5 =	vld.idx.msk [tilespmem:v9+s20+$0x0], $0xffff  }
0x48: {  	p0 =	seq.s32 s0, $0x3;
	s0 =	simm.f32 $0.0e+00;
	v12 =	vld.idx.msk [tilespmem:v9+s19+$0x0], $0xffff  }
0x49: {  	s28 =	sor.u32 $0x20, s26;
	v14 =	vshll.u32 v11, $0x3;
	v11 =	vand.u32 $0x7F, v11;
	s0 =	simm.s32 @!p0 $0x3F800000;
	v17 =	vld.idx.msk [tilespmem:v13+s20+$0x0], $0xffff  }
0x4a: {  	v15 =	vld [tilespmem:s14+$0x12300];
	v14 =	vand.u32 $0xFFFFFC00, v14;
	s13 =	sor.u32 s8, s28;
	v0 =	vmov s0;
	vm0 =	veq.s32 v6, $0x0  }
0x4b: {  	s9 =	sshrl.u32 s25, $0x3;
	v14 =	vadd.s32 v1, v14;
	v22 =	vld [tilespmem:s13+$0x12000];
	v23 =	vand.u32 $0x7F, v20;
	v19 =	vsel vm0, $0x0, v0  }
0x4c: {  	s31 =	smul.u32 $0x1800, s9;
	s0 =	simm.s32 $0x0;
	v8 =	vmul.f32 $1.250000000e+00, v8;
	v6 =	vld.idx.msk [tilespmem:v16+s20+$0x0], $0xffff;
	vm13 =	veq.s32 v5, $0x0;
	v21 =	vmul.f32 v19, v10  }
0x4d: {  	s14 =	sshll.u32 s25, $0x7;
	s23 =	sand.u32 $0x1C00, s0;
	v10 =	vmul.f32 $1.250000000e+00, v7;
	v7 =	vor.u32 v11, v14;
	v14 =	vmul.f32 $1.250000000e+00, v12;
	v12 =	vld.idx.msk [tilespmem:v13+s3+$0x0], $0xffff  }
0x4e: {  	s1 =	sand.u32 $0x380, s14;
	s11 =	sadd.s32 s31, s23;
	v11 =	vld.idx.msk [tilespmem:v13+s19+$0x0], $0xffff;
	v5 =	vsel vm13, $0x0, v0;
	vm14 =	veq.s32 v17, $0x0;
	v17 =	vshll.u32 v18, $0x3  }
0x4f: {  	s11 =	sor.u32 s1, s11;
	v13 =	vld.idx.msk [tilespmem:v9+s3+$0x0], $0xffff;
	v7 =	vor.u32 v2, v7;
	v5 =	vmul.f32 v5, v15;
	v9 =	vand.u32 $0xFFFFFC00, v17  }
0x50: {  	s12 =	sor.u32 s5, s11;
	v19 =	vmul.f32 v21, v10;
	v17 =	vand.u32 $0x7F, v18;
	v18 =	vadd.s32 v1, v9  }
0x51: {  	s21 =	sor.u32 s21, s11;
	[tilespmem:s12+$0x1B600] =	vst v21;
	v9 =	vld [tilespmem:s10+$0x12300];
	v10 =	vmul.f32 v5, v14;
	vm15 =	veq.s32 v6, $0x0;
	v6 =	vshll.u32 v20, $0x3  }
0x52: {  	v8 =	vmul.f32 v21, v8;
	v15 =	vsel vm14, $0x0, v0;
	v14 =	vld.idx.msk [tilespmem:v16+s3+$0x0], $0xffff;
	[tilespmem:s21+$0x1B600] =	vst v5;
	v6 =	vand.u32 $0xFFFFFC00, v6  }
0x53: {  	v16 =	vld.idx.msk [tilespmem:v16+s19+$0x0], $0xffff;
	v18 =	vor.u32 v17, v18;
	[tilespmem:s21+$0x16E00] =	vst v10;
	v10 =	vshll.u32 v22, $0x3;
	v24 =	vadd.s32 v1, v6  }
0x54: {  	s23 =	simm.s32 $0x12340;
	[tilespmem:s12+$0x12600] =	vst v8;
	v6 =	vor.u32 v2, v18;
	v18 =	vsel vm15, $0x0, v0;
	v20 =	vand.u32 $0xFFFFFC00, v10;
	v10 =	vld [tilespmem:s13+$0x12300]  }
0x55: {  	s5 =	sor.u32 s4, s11;
	s22 =	sor.u32 s22, s11;
	s4 =	simm.s32 $0x12080;
	[tilespmem:s12+$0x16E00] =	vst v19;
	v8 =	vld [tilespmem:s23+$0x0];
	v19 =	vor.u32 v23, v24;
	v17 =	vadd.s32 v1, v20;
	v20 =	vand.u32 $0x7F, v22  }
.LBB2_3:
0x56: {  	v21 =	vld [tilespmem:s4+$0x0];
	v19 =	vor.u32 v2, v19;
	v17 =	vor.u32 v20, v17;
	v15 =	vmul.f32 v15, v3  }
0x57: {  	v12 =	vmul.f32 $1.250000000e+00, v12;
	v18 =	vmul.f32 v18, v4;
	v20 =	vld.idx.msk [tilespmem:v7+s3+$0x0], $0xffff;
	v17 =	vor.u32 v2, v17  }
0x58: {  	v11 =	vmul.f32 $1.250000000e+00, v11;
	v14 =	vmul.f32 $1.250000000e+00, v14;
	v22 =	vld.idx.msk [tilespmem:v7+s20+$0x0], $0xffff;
	[tilespmem:s5+$0x1B600] =	vst v15;
	v3 =	vmov v9  }
0x59: {  	v13 =	vmul.f32 $1.250000000e+00, v13;
	v16 =	vmul.f32 $1.250000000e+00, v16;
	v9 =	vld.idx.msk [tilespmem:v6+s20+$0x0], $0xffff;
	[tilespmem:s22+$0x1B600] =	vst v18;
	v4 =	vmov v10  }
0x5a: {  	v11 =	vmul.f32 v15, v11;
	v10 =	vmul.f32 v15, v12;
	v7 =	vld.idx.msk [tilespmem:v7+s19+$0x0], $0xffff  }
0x5b: {  	s15 =	sadd.s32 $0x40, s15;
	v14 =	vmul.f32 v18, v14;
	v15 =	vmul.f32 v18, v16;
	v12 =	vld.idx.msk [tilespmem:v6+s19+$0x0], $0xffff  }
0x5c: {  	s8 =	sand.u32 $0x40, s15;
	p0 =	slt.u32 s15, $0x2C0;
	v5 =	vmul.f32 v5, v13;
	v16 =	vshll.u32 v21, $0x3;
	v18 =	vld [tilespmem:s16+$0x12300];
	[tilespmem:s5+$0x12600] =	vst v10  }
0x5d: {  	s13 =	sand.u32 $0x380, s15;
	s10 =	sor.u32 $0x10, s8;
	s11 =	sor.u32 $0x30, s8;
	v10 =	vand.u32 $0xFFFFFC00, v16;
	v13 =	vld.idx.msk [tilespmem:v19+s20+$0x0], $0xffff;
	[tilespmem:s5+$0x16E00] =	vst v11  }
0x5e: {  	s14 =	sor.u32 $0x20, s8;
	s12 =	sor.u32 s13, s10;
	s16 =	sor.u32 s13, s11;
	v11 =	vand.u32 $0x7F, v21;
	v10 =	vadd.s32 v1, v10;
	vm0 =	veq.s32 v22, $0x0;
	v16 =	vld.idx.msk [tilespmem:v17+s20+$0x0], $0xffff;
	[tilespmem:s22+$0x12600] =	vst v14  }
0x5f: {  	s13 =	sor.u32 s13, s14;
	v20 =	vmul.f32 $1.250000000e+00, v20;
	v14 =	vsel vm0, $0x0, v0;
	vm0 =	veq.s32 v9, $0x0;
	v21 =	vld [tilespmem:s16+$0x12000];
	[tilespmem:s22+$0x16E00] =	vst v15  }
0x60: {  	s0 =	sadd.s32 $0x200, s0;
	v22 =	vmul.f32 v14, v8;
	v8 =	vmul.f32 $1.250000000e+00, v7;
	v7 =	vsel vm0, $0x0, v0;
	v9 =	vld [tilespmem:s12+$0x12000];
	[tilespmem:s21+$0x12600] =	vst v5  }
0x61: {  	s5 =	sand.u32 $0x1C00, s0;
	v10 =	vor.u32 v11, v10;
	v14 =	vmul.f32 $1.250000000e+00, v12;
	v23 =	vld [tilespmem:s13+$0x12000];
	v5 =	vmul.f32 v7, v18  }
0x62: {  	s5 =	sadd.s32 s31, s5;
	v7 =	vor.u32 v2, v10;
	v10 =	vmul.f32 v22, v20;
	v12 =	vld.idx.msk [tilespmem:v19+s3+$0x0], $0xffff  }
0x63: {  	s22 =	sor.u32 s1, s5;
	v8 =	vmul.f32 v22, v8;
	vm0 =	veq.s32 v13, $0x0;
	v11 =	vld.idx.msk [tilespmem:v19+s19+$0x0], $0xffff;
	v18 =	vmul.f32 v5, v14  }
0x64: {  	s9 =	sor.u32 s26, s22;
	s5 =	sor.u32 s29, s22;
	s21 =	sor.u32 s30, s22;
	v15 =	vsel vm0, $0x0, v0;
	vm0 =	veq.s32 v16, $0x0;
	v13 =	vshll.u32 v21, $0x3;
	v14 =	vld.idx.msk [tilespmem:v17+s3+$0x0], $0xffff  }
.Ltmp0:
0x65: {  	s22 =	sor.u32 s28, s22;
	s26 =	smov.u32 s8;
	v19 =	vand.u32 $0x7F, v9;
	v20 =	vshll.u32 v9, $0x3;
	v9 =	vand.u32 $0xFFFFFC00, v13;
	v13 =	vld.idx.msk [tilespmem:v6+s3+$0x0], $0xffff;
	[tilespmem:s21+$0x16E00] =	vst v18;
	(pc) =	sbr.rel @p0 .LBB2_3-.Ltmp0, $4  }
0x66: {  	s29 =	smov.u32 s10;
	s30 =	smov.u32 s11;
	s28 =	smov.u32 s14;
	v18 =	vand.u32 $0x7F, v21;
	v6 =	vshll.u32 v23, $0x3;
	v21 =	vadd.s32 v1, v9;
	v16 =	vld.idx.msk [tilespmem:v17+s19+$0x0], $0xffff;
	[tilespmem:s21+$0x1B600] =	vst v5  }
0x67: {  	v17 =	vand.u32 $0xFFFFFC00, v20;
	v9 =	vld [tilespmem:s12+$0x12300];
	v6 =	vand.u32 $0xFFFFFC00, v6;
	v18 =	vor.u32 v18, v21;
	[tilespmem:s9+$0x12600] =	vst v10  }
0x68: {  	s23 =	sadd.s32 $0x40, s23;
	v20 =	vadd.s32 v1, v17;
	v10 =	vld [tilespmem:s13+$0x12300];
	v17 =	vadd.s32 v1, v6;
	v6 =	vor.u32 v2, v18;
	[tilespmem:s9+$0x16E00] =	vst v8  }
0x69: {  	s4 =	sadd.s32 $0x40, s4;
	v19 =	vor.u32 v19, v20;
	v20 =	vand.u32 $0x7F, v23;
	v18 =	vsel vm0, $0x0, v0;
	v8 =	vld [tilespmem:s23+$0x0];
	[tilespmem:s9+$0x1B600] =	vst v22  }
0x6a: {  	_ =	sdelay $0x3  }
0x6b: {  	v1 =	vld.idx.msk [tilespmem:v7+s20+$0x0], $0xffff  }
0x6c: {  	v21 =	vld.idx.msk [tilespmem:v6+s20+$0x0], $0xffff;
	v17 =	vor.u32 v20, v17;
	v3 =	vmul.f32 v15, v3;
	v12 =	vmul.f32 $1.250000000e+00, v12  }
0x6d: {  	v19 =	vor.u32 v2, v19;
	v34 =	vld.idx.msk [tilespmem:v6+s19+$0x0], $0xffff;
	v4 =	vmul.f32 v18, v4;
	v11 =	vmul.f32 $1.250000000e+00, v11  }
0x6e: {  	v36 =	vld [tilespmem:s16+$0x12300];
	v14 =	vmul.f32 $1.250000000e+00, v14;
	v35 =	vor.u32 v2, v17;
	[tilespmem:s5+$0x1B600] =	vst v3;
	v12 =	vmul.f32 v3, v12  }
0x6f: {  	v37 =	vld.idx.msk [tilespmem:v7+s3+$0x0], $0xffff;
	v38 =	vmul.f32 $1.250000000e+00, v13;
	v3 =	vmul.f32 v3, v11;
	[tilespmem:s22+$0x1B600] =	vst v4  }
0x70: {  	v39 =	vld.idx.msk [tilespmem:v7+s19+$0x0], $0xffff;
	s0 =	sadd.s32 $0x200, s0;
	v16 =	vmul.f32 $1.250000000e+00, v16;
	v40 =	vmul.f32 v4, v14;
	[tilespmem:s5+$0x12600] =	vst v12  }
0x71: {  	v52 =	vld.idx.msk [tilespmem:v6+s3+$0x0], $0xffff;
	s0 =	sand.u32 $0x1C00, s0;
	v5 =	vmul.f32 v5, v38;
	[tilespmem:s5+$0x16E00] =	vst v3;
	vm0 =	veq.s32 v21, $0x0  }
0x72: {  	s0 =	sadd.s32 s31, s0;
	v4 =	vmul.f32 v4, v16;
	[tilespmem:s22+$0x12600] =	vst v40;
	v41 =	vld.idx.msk [tilespmem:v19+s20+$0x0], $0xffff;
	vm13 =	veq.s32 v1, $0x0;
	v42 =	vsel vm0, $0x0, v0  }
0x73: {  	s0 =	sor.u32 s1, s0;
	[tilespmem:s21+$0x12600] =	vst v5;
	v45 =	vmul.f32 $1.250000000e+00, v34;
	v43 =	vld.idx.msk [tilespmem:v35+s20+$0x0], $0xffff;
	v46 =	vsel vm13, $0x0, v0;
	v44 =	vmul.f32 v42, v36  }
0x74: {  	s1 =	sor.u32 s30, s0;
	v47 =	vmul.f32 $1.250000000e+00, v37;
	v48 =	vld.idx.msk [tilespmem:v19+s3+$0x0], $0xffff;
	[tilespmem:s22+$0x16E00] =	vst v4;
	v49 =	vmul.f32 v46, v8  }
0x75: {  	s4 =	sor.u32 s26, s0;
	v50 =	vld.idx.msk [tilespmem:v19+s19+$0x0], $0xffff;
	v7 =	vmul.f32 $1.250000000e+00, v39;
	v51 =	vmul.f32 v44, v45;
	[tilespmem:s1+$0x1B600] =	vst v44  }
0x76: {  	v61 =	vmul.f32 $1.250000000e+00, v52;
	v54 =	vld.idx.msk [tilespmem:v35+s3+$0x0], $0xffff;
	v53 =	vmul.f32 v49, v47;
	[tilespmem:s4+$0x1B600] =	vst v49  }
0x77: {  	v2 =	vld.idx.msk [tilespmem:v35+s19+$0x0], $0xffff;
	v7 =	vmul.f32 v49, v7;
	vm14 =	veq.s32 v41, $0x0;
	[tilespmem:s1+$0x16E00] =	vst v51  }
0x78: {  	v63 =	vmul.f32 v44, v61;
	v55 =	vsel vm14, $0x0, v0;
	vm15 =	veq.s32 v43, $0x0;
	[tilespmem:s4+$0x12600] =	vst v53  }
0x79: {  	v58 =	vmul.f32 $1.250000000e+00, v48;
	[tilespmem:s4+$0x16E00] =	vst v7;
	v56 =	vsel vm15, $0x0, v0;
	v57 =	vmul.f32 v55, v9  }
0x7a: {  	s25 =	sadd.s32 $0x1, s25;
	s31 =	sor.u32 s29, s0;
	v59 =	vmul.f32 $1.250000000e+00, v50;
	[tilespmem:s1+$0x12600] =	vst v63;
	v0 =	vmul.f32 v56, v10  }
0x7b: {  	p0 =	sne.s32 s25, $0x18;
	s0 =	sor.u32 s28, s0;
	v60 =	vmul.f32 $1.250000000e+00, v54;
	[tilespmem:s31+$0x1B600] =	vst v57;
	v6 =	vmul.f32 v57, v58  }
.Ltmp1:
0x7c: {  	v2 =	vmul.f32 $1.250000000e+00, v2;
	v1 =	vmul.f32 v57, v59;
	[tilespmem:s0+$0x1B600] =	vst v0;
	(pc) =	sbr.rel @p0 .LBB2_2-.Ltmp1, $4  }
0x7d: {  	v62 =	vmul.f32 v0, v60;
	[tilespmem:s31+$0x12600] =	vst v6  }
0x7e: {  	v0 =	vmul.f32 v0, v2;
	[tilespmem:s31+$0x16E00] =	vst v1  }
0x7f: {  	[tilespmem:s0+$0x12600] =	vst v62  }
0x80: {  	[tilespmem:s0+$0x16E00] =	vst v0  }
0x81: {  	s0 =	rddreg [dreg:$0x9];
	s1 =	simm.s32 $0x12600  }
0x82: {  	[hbm4b:s0+s3] =	stream.linear.scatter [tilespmem:s1], [sflag:$0x1], $0x4800, $0x38;
	[tilespmem:$0x1FE00] =	vst v63  }
0x83: {  	_ =	swait.ge [sflag:s6], $0x4800  }
0x84: {  	[sflag:s6] =	ssyncset.done $0x0  }
0x85: {  	s28 =	simm.s32 $0x16E00;
	s26 =	rddreg [dreg:$0xc];
	[sflag:s6] =	ssyncadd.s32 $0xFFFFB800  }
0x86: {  	[hbm4b:s26+s3] =	stream.linear.scatter [tilespmem:s28], [sflag:$0x1], $0x4800, $0x38;
	[tilespmem:$0x1FE00] =	vst v63  }
0x87: {  	_ =	swait.ge [sflag:s6], $0x4800  }
0x88: {  	[sflag:s6] =	ssyncset.done $0x0  }
0x89: {  	s30 =	simm.s32 $0x1B600;
	s29 =	rddreg [dreg:$0xd];
	[sflag:s6] =	ssyncadd.s32 $0xFFFFB800  }
0x8a: {  	[hbm4b:s29+s3] =	stream.linear.scatter [tilespmem:s30], [sflag:$0x1], $0x4800, $0x38;
	[tilespmem:$0x1FE00] =	vst v63  }
0x8b: {  	_ =	swait.ge [sflag:s6], $0x4800  }
0x8c: {  	s24 =	sadd.s32 $0x1, s24;
	s31 =	rddreg [dreg:$0xe]  }
0x8d: {  	p0 =	sne.s32 s24, s31  }
.Ltmp2:
0x8e: {  	_ = 	snop;
	(pc) =	sbr.rel @p0 .LBB2_1-.Ltmp2, $3  }
0x8f: {  	_ =	sdelay $0x1  }
0x90: {  	[sflag:s6] =	ssyncset.done $0x0  }
0x91: {  	[sflag:s6] =	ssyncadd.s32 $0xFFFFB800  }
0x92: {  	_ =	sfence.sel $0x180000  }
0x93: {  	[bflag:$0x0] =	sbarrier.arrive $0xFFFF  }
0x94: {  	_ =	strace $0x90000047  }
0x95: {  	s0 =	stileid.u32;
	[bflag:$0x2] =	sbarrier.arrive $0xFFFF  }
0x96: {  	p0 =	sne.s32 s0, $0x0;
	s0 =	rddreg [dreg:$0x5]  }
0x97: {  	s0 =	sadd.s32 @!p0 $0x100000, s0  }
0x98: {  	[sflag:s0] =	ssyncadd.tile.s32 @!p0 $0x1;
	_ =	shalt  }
.Lfunc_end2:
_tile_overlayer_lowered:
.L_overlay_start_2:
0x99: {  	(tag) =	ssettag $0x2  }
0x9a: {  	s0 =	rddreg [dreg:$0x0];
	s2 =	stileid.u32  }
0x9b: {  	s1 =	rddreg [dreg:$0x1];
	p0 =	sne.s32 s2, $0x0  }
0x9c: {  	s3 =	rddreg [dreg:$0x2];
	[bflag:$0x3] =	sbarrier.arrive $0xFFFF;
	s2 =	simm.s32 @!p0 $0x1C01  }
0x9d: {  	[timem:s3], [sflag:s2] =	dma.local @!p0 [hbm:s0], s1  }
0x9e: {  	s0 =	simm.s32 @!p0 $0x1  }
0x9f: {  	_ =	swait.ge @!p0 [sflag:s0], s1  }
0xa0: {  	s1 =	ssub.s32 @!p0 $0x0, s1;
	[sflag:s0] =	ssyncset.done @!p0 $0x0  }
0xa1: {  	[sflag:s0] =	ssyncadd.s32 @!p0 s1  }
0xa2: {  	[bflag:$0x3] =	sbarrier.arrive $0xFFFF  }
0xa3: {  	_ =	shalt  }

</sc_bundles>
